<compile_context>
chip_gen: v7x
topology: tpu7x:2x2x1
jax: 0.10.2.dev20260603
libtpu: 0.0.44.dev20260713+nightly
codegen_flags: <defaults>
</compile_context>

<pallas_src>
import functools

import jax
import jax.numpy as jnp
from jax import lax
from jax.experimental import pallas as pl
from jax.experimental.pallas import tpu as pltpu
from jax.experimental.pallas import tpu_sc as plsc

N = 10000
D = 128
E = 320000

NC = 2
NS = 16
K = 128

NPAD = 10112
ROWS_PER_TILE = NPAD // NS

CHUNKS = 79
E_PER_TILE = CHUNKS * K
E_PER_CORE = NS * E_PER_TILE
E_PAD = NC * E_PER_CORE

_MESH = plsc.VectorSubcoreMesh(core_axis_name="c", subcore_axis_name="s")


NPD = 16384
CPT = NPD // NS


@functools.partial(
    pl.kernel,
    out_type=jax.ShapeDtypeStruct((NC, 128, 128), jnp.int32),
    mesh=_MESH,
    scratch_types=[
        pltpu.VMEM((E_PER_TILE,), jnp.int32),
        pltpu.VMEM((NPD,), jnp.int32),
        pltpu.VMEM((NS, CPT), jnp.int32),
        pltpu.VMEM((8, 128), jnp.int32),
        pltpu.VMEM_SHARED((NS, NPD), jnp.int32),
    ],
    compiler_params=pltpu.CompilerParams(needs_layout_passes=False),
)
def _deg_kernel(dst_hbm, zeros_hbm, out_hbm, didx, hist, redbuf, res, shared):
    c = lax.axis_index("c")
    s = lax.axis_index("s")
    pltpu.sync_copy(zeros_hbm, hist)
    pltpu.sync_copy(dst_hbm.at[pl.ds((c * NS + s) * E_PER_TILE,
                                     E_PER_TILE)], didx)
    ones16 = jnp.full((16,), 1, jnp.int32)

    def body(j, carry):
        idx = didx[pl.ds(j * 16, 16)]
        plsc.addupdate_scatter(hist, [idx], ones16)
        return carry

    lax.fori_loop(0, E_PER_TILE // 16, body, 0)
    pltpu.sync_copy(hist, shared.at[s])
    plsc.subcore_barrier()

    pltpu.sync_copy(shared.at[:, pl.ds(s * CPT, CPT)], redbuf)

    def rbody(j, carry):
        acc16 = redbuf[0, pl.ds(j * 16, 16)]
        for r in range(1, NS):
            acc16 = acc16 + redbuf[r, pl.ds(j * 16, 16)]
        res[j // 8, pl.ds((j % 8) * 16, 16)] = acc16
        return carry

    lax.fori_loop(0, CPT // 16, rbody, 0)
    pltpu.sync_copy(res, out_hbm.at[c, pl.ds(s * 8, 8)])


@functools.partial(
    pl.kernel,
    out_type=jax.ShapeDtypeStruct((NC, NPAD, D), jnp.float32),
    mesh=_MESH,
    scratch_types=[
        pltpu.VMEM((K,), jnp.int32),
        pltpu.VMEM((K,), jnp.int32),
        pltpu.VMEM((K, D), jnp.float32),
        pltpu.VMEM_SHARED((NPAD, D), jnp.float32),
        pltpu.SemaphoreType.DMA,
    ],
)
def _agg_kernel(y_hbm, src_hbm, dst_hbm, zeros_hbm, out_hbm,
                sbuf, dbuf, rows, acc, gsem):
    c = lax.axis_index("c")
    s = lax.axis_index("s")
    r0 = s * ROWS_PER_TILE
    pltpu.sync_copy(zeros_hbm.at[pl.ds(r0, ROWS_PER_TILE)],
                    acc.at[pl.ds(r0, ROWS_PER_TILE)])
    ebase = (c * NS + s) * E_PER_TILE
    plsc.subcore_barrier()

    def body(ch, carry):
        base = ebase + ch * K
        pltpu.sync_copy(src_hbm.at[pl.ds(base, K)], sbuf)
        pltpu.sync_copy(dst_hbm.at[pl.ds(base, K)], dbuf)
        pltpu.async_copy(y_hbm.at[sbuf], rows, gsem).wait()
        pltpu.sync_copy(rows, acc.at[dbuf], add=True)
        return carry

    lax.fori_loop(0, CHUNKS, body, 0)

    plsc.subcore_barrier()
    pltpu.sync_copy(acc.at[pl.ds(r0, ROWS_PER_TILE)],
                    out_hbm.at[c, pl.ds(r0, ROWS_PER_TILE)])


def _y_body(deg0_ref, deg1_ref, x_ref, w_ref, y_ref):
    cnt = (deg0_ref[...] + deg1_ref[...]).astype(jnp.float32)
    dis = lax.rsqrt(cnt + 1.0)
    xw = jnp.dot(x_ref[...], w_ref[...], preferred_element_type=jnp.float32)
    y_ref[...] = xw * dis


def _out_body(deg0_ref, deg1_ref, acc0_ref, acc1_ref, y_ref, b_ref, o_ref):
    cnt = (deg0_ref[...] + deg1_ref[...]).astype(jnp.float32)
    dis = lax.rsqrt(cnt + 1.0)
    o_ref[...] = dis * (acc0_ref[...] + acc1_ref[...] + y_ref[...]) + b_ref[...]


_BLK = 1000
_GRID = N // _BLK


def kernel(x, edge_index, W, b):
    src = edge_index[0].astype(jnp.int32)
    dst = edge_index[1].astype(jnp.int32)
    pad = E_PAD - E
    src_p = jnp.concatenate([src, jnp.zeros((pad,), jnp.int32)])
    dst_p = jnp.concatenate([dst, jnp.full((pad,), N, jnp.int32)])

    zeros_h = jnp.zeros((NPD,), jnp.int32)
    zeros_d = jnp.zeros((NPAD, D), jnp.float32)

    deg = _deg_kernel(dst_p, zeros_h)
    deg0 = deg[0].reshape(NPD)[:N].reshape(N, 1)
    deg1 = deg[1].reshape(NPD)[:N].reshape(N, 1)

    y = pl.pallas_call(
        _y_body,
        grid=(_GRID,),
        in_specs=[
            pl.BlockSpec((_BLK, 1), lambda i: (i, 0)),
            pl.BlockSpec((_BLK, 1), lambda i: (i, 0)),
            pl.BlockSpec((_BLK, D), lambda i: (i, 0)),
            pl.BlockSpec((D, D), lambda i: (0, 0)),
        ],
        out_specs=pl.BlockSpec((_BLK, D), lambda i: (i, 0)),
        out_shape=jax.ShapeDtypeStruct((N, D), jnp.float32),
    )(deg0, deg1, x, W)

    acc = _agg_kernel(y, src_p, dst_p, zeros_d)
    acc0 = acc[0, :N]
    acc1 = acc[1, :N]

    out = pl.pallas_call(
        _out_body,
        grid=(_GRID,),
        in_specs=[
            pl.BlockSpec((_BLK, 1), lambda i: (i, 0)),
            pl.BlockSpec((_BLK, 1), lambda i: (i, 0)),
            pl.BlockSpec((_BLK, D), lambda i: (i, 0)),
            pl.BlockSpec((_BLK, D), lambda i: (i, 0)),
            pl.BlockSpec((_BLK, D), lambda i: (i, 0)),
            pl.BlockSpec((1, D), lambda i: (0, 0)),
        ],
        out_specs=pl.BlockSpec((_BLK, D), lambda i: (i, 0)),
        out_shape=jax.ShapeDtypeStruct((N, D), jnp.float32),
    )(deg0, deg1, acc0, acc1, y, b.reshape(1, D))

    return out

# --- scband reference (transcript-rebuilt; emitter-appended) ---
"""Pipeline reference for scband-gcnlayer-35570919145686 (READ-ONLY COPY).

The authoritative reference and input builder live on the scoring server;
editing this copy changes nothing except your own understanding.
"""

import jax, jax.numpy as jnp
import numpy as np

N_NODES = 10000
N_EDGES = 320000
D_IN = 128
D_OUT = 128


def setup_inputs(seed: int = 0) -> dict:
    key = jax.random.key(seed)
    k1, k2, k3 = jax.random.split(key, 3)
    x = jax.random.normal(k1, (N_NODES, D_IN), dtype=jnp.float32)
    edge_index = jax.random.randint(k2, (2, N_EDGES), 0, N_NODES, dtype=jnp.int64)
    # GCNConv weight (glorot) and bias (zeros), as in torch_geometric defaults
    limit = float(np.sqrt(6.0 / (D_IN + D_OUT)))
    W = jax.random.uniform(k3, (D_IN, D_OUT), minval=-limit, maxval=limit, dtype=jnp.float32)
    b = jnp.zeros((D_OUT,), dtype=jnp.float32)
    return {"x": x, "edge_index": edge_index, "W": W, "b": b}


def reference(x, edge_index, W, b):
    # Faithful GCNConv: add self-loops, symmetric normalization,
    # x' = D^{-1/2} (A + I) D^{-1/2} (X W) + b
    N = x.shape[0]
    src = edge_index[0]
    dst = edge_index[1]
    loop = jnp.arange(N, dtype=edge_index.dtype)
    src = jnp.concatenate([src, loop])
    dst = jnp.concatenate([dst, loop])
    xw = x @ W
    deg = jnp.zeros((N,), dtype=xw.dtype).at[dst].add(1.0)
    deg_inv_sqrt = jnp.where(deg > 0, deg ** -0.5, 0.0)
    norm = deg_inv_sqrt[src] * deg_inv_sqrt[dst]
    msgs = jnp.take(xw, src, axis=0) * norm[:, None]
    out = jnp.zeros((N, xw.shape[1]), dtype=xw.dtype).at[dst].add(msgs)
    return out + b


if False:  # reference __main__ guard neutralized (emitter)
    inp = setup_inputs()
    out = reference(**inp)
    print(out.shape)

if __name__ == "__main__":
    import jax
    _d = setup_inputs()
    print(jax.jit(kernel)(*tuple(_d.values())))

</pallas_src>

<mosaic_0001>
#map = affine_map<(d0, d1) -> (0)>
#map1 = affine_map<(d0, d1) -> (0, 0, 0)>
module attributes {stable_mosaic.version = 14 : i64} {
  func.func @_deg_kernel(%arg0: i32, %arg1: i32, %arg2: memref<323584xi32, #tpu.memory_space<hbm>>, %arg3: memref<16384xi32, #tpu.memory_space<hbm>>, %arg4: memref<2x128x128xi32, #tpu.memory_space<hbm>>, %arg5: memref<10112xi32, #tpu.memory_space<vmem>>, %arg6: memref<16384xi32, #tpu.memory_space<vmem>>, %arg7: memref<16x1024xi32, #tpu.memory_space<vmem>>, %arg8: memref<8x128xi32, #tpu.memory_space<vmem>>, %arg9: memref<16x16384xi32, #tpu.memory_space<vmem_shared>>) attributes {dimension_semantics = [#tpu.dimension_semantics<core_parallel>, #tpu.dimension_semantics<subcore_parallel>], iteration_bounds = array<i64: 2, 16>, scalar_prefetch = 0 : i64, scratch_operands = 5 : i64, tpu.core_type = #tpu.core_type<sc_vector_subcore>, window_params = [{transform_indices = #map}, {transform_indices = #map}, {transform_indices = #map1}]} {
    "tpu.region"() ({
      %run_scoped3A = tpu.sem_alloc : memref<!tpu.dma_semaphore, #tpu.memory_space<semaphore_mem>>
      tpu.enqueue_dma source(%arg3 : memref<16384xi32, #tpu.memory_space<hbm>>) target(%arg6 : memref<16384xi32, #tpu.memory_space<vmem>>) target_semaphore(%run_scoped3A : memref<!tpu.dma_semaphore, #tpu.memory_space<semaphore_mem>>)
      tpu.wait_dma2 semaphore(%run_scoped3A : memref<!tpu.dma_semaphore, #tpu.memory_space<semaphore_mem>>) src(%arg3 : memref<16384xi32, #tpu.memory_space<hbm>>) dst(%arg6 : memref<16384xi32, #tpu.memory_space<vmem>>)
      tpu.yield
    }) : () -> ()
    %mul3A = arith.constant 16 : i32
    %mul3A_0 = arith.muli %arg0, %mul3A : i32
    %add3A = arith.addi %mul3A_0, %arg1 : i32
    %mul3A_1 = arith.constant 10112 : i32
    %mul3A_2 = arith.muli %add3A, %mul3A_1 : i32
    "tpu.region"() ({
      %run_scoped3A = tpu.sem_alloc : memref<!tpu.dma_semaphore, #tpu.memory_space<semaphore_mem>>
      %dma_start3A = tpu.memref_slice %arg2[%mul3A_2] : memref<323584xi32, #tpu.memory_space<hbm>> -> memref<10112xi32, #tpu.memory_space<hbm>>
      %dma_start3A_19 = tpu.memref_slice %arg2[%mul3A_2] : memref<323584xi32, #tpu.memory_space<hbm>> -> memref<10112xi32, #tpu.memory_space<hbm>>
      tpu.enqueue_dma source(%dma_start3A_19 : memref<10112xi32, #tpu.memory_space<hbm>>) target(%arg5 : memref<10112xi32, #tpu.memory_space<vmem>>) target_semaphore(%run_scoped3A : memref<!tpu.dma_semaphore, #tpu.memory_space<semaphore_mem>>)
      %dma_wait3A = tpu.memref_slice %arg2[%mul3A_2] : memref<323584xi32, #tpu.memory_space<hbm>> -> memref<10112xi32, #tpu.memory_space<hbm>>
      %dma_wait3A_20 = tpu.memref_slice %arg2[%mul3A_2] : memref<323584xi32, #tpu.memory_space<hbm>> -> memref<10112xi32, #tpu.memory_space<hbm>>
      tpu.wait_dma2 semaphore(%run_scoped3A : memref<!tpu.dma_semaphore, #tpu.memory_space<semaphore_mem>>) src(%dma_wait3A_20 : memref<10112xi32, #tpu.memory_space<hbm>>) dst(%arg5 : memref<10112xi32, #tpu.memory_space<vmem>>)
      tpu.yield
    }) : () -> ()
    %broadcast_in_dim3A = arith.constant 1 : i32
    %broadcast_in_dim3A_3 = vector.broadcast %broadcast_in_dim3A : i32 to vector<16xi32>
    %scan3A = arith.constant 0 : i32
    %scan3A_4 = arith.constant 0 : i32
    %scan3A_5 = arith.constant 632 : i32
    %scan3A_6 = arith.addi %scan3A_4, %scan3A_5 : i32
    %scan3A_7 = arith.constant 1 : i32
    scf.for %scan3A_19 = %scan3A_4 to %scan3A_6 step %scan3A_7  : i32 {
      %mul3A_20 = arith.constant 16 : i32
      %mul3A_21 = arith.muli %scan3A_19, %mul3A_20 : i32
      %get3A = arith.index_cast %mul3A_21 : i32 to index
      %get3A_22 = tpu.vector_load %arg5[%get3A] {strides = array<i32>} : memref<10112xi32, #tpu.memory_space<vmem>>, vector<16xi32>,
      tpu.vector_store_idx %arg6[%get3A_22], %broadcast_in_dim3A_3 {add = true} : memref<16384xi32, #tpu.memory_space<vmem>>[vector<16xi32>], vector<16xi32>,
    }
    %scan3A_8 = arith.constant 632 : i32
    "tpu.region"() ({
      %run_scoped3A = tpu.sem_alloc : memref<!tpu.dma_semaphore, #tpu.memory_space<semaphore_mem>>
      %dma_start3A = arith.constant 0 : i32
      %dma_start3A_19 = tpu.memref_slice %arg9[%arg1, %dma_start3A] : memref<16x16384xi32, #tpu.memory_space<vmem_shared>> -> memref<1x16384xi32, #tpu.memory_space<vmem_shared>>
      %dma_start3A_20 = tpu.memref_squeeze %dma_start3A_19 : memref<1x16384xi32, #tpu.memory_space<vmem_shared>> -> memref<16384xi32, #tpu.memory_space<vmem_shared>>
      %dma_start3A_21 = arith.constant 0 : i32
      %dma_start3A_22 = tpu.memref_slice %arg9[%arg1, %dma_start3A_21] : memref<16x16384xi32, #tpu.memory_space<vmem_shared>> -> memref<1x16384xi32, #tpu.memory_space<vmem_shared>>
      %dma_start3A_23 = tpu.memref_squeeze %dma_start3A_22 : memref<1x16384xi32, #tpu.memory_space<vmem_shared>> -> memref<16384xi32, #tpu.memory_space<vmem_shared>>
      tpu.enqueue_dma source(%arg6 : memref<16384xi32, #tpu.memory_space<vmem>>) target(%dma_start3A_23 : memref<16384xi32, #tpu.memory_space<vmem_shared>>) target_semaphore(%run_scoped3A : memref<!tpu.dma_semaphore, #tpu.memory_space<semaphore_mem>>)
      %dma_wait3A = arith.constant 0 : i32
      %dma_wait3A_24 = tpu.memref_slice %arg9[%arg1, %dma_wait3A] : memref<16x16384xi32, #tpu.memory_space<vmem_shared>> -> memref<1x16384xi32, #tpu.memory_space<vmem_shared>>
      %dma_wait3A_25 = tpu.memref_squeeze %dma_wait3A_24 : memref<1x16384xi32, #tpu.memory_space<vmem_shared>> -> memref<16384xi32, #tpu.memory_space<vmem_shared>>
      %dma_wait3A_26 = arith.constant 0 : i32
      %dma_wait3A_27 = tpu.memref_slice %arg9[%arg1, %dma_wait3A_26] : memref<16x16384xi32, #tpu.memory_space<vmem_shared>> -> memref<1x16384xi32, #tpu.memory_space<vmem_shared>>
      %dma_wait3A_28 = tpu.memref_squeeze %dma_wait3A_27 : memref<1x16384xi32, #tpu.memory_space<vmem_shared>> -> memref<16384xi32, #tpu.memory_space<vmem_shared>>
      tpu.wait_dma2 semaphore(%run_scoped3A : memref<!tpu.dma_semaphore, #tpu.memory_space<semaphore_mem>>) src(%arg6 : memref<16384xi32, #tpu.memory_space<vmem>>) dst(%dma_wait3A_28 : memref<16384xi32, #tpu.memory_space<vmem_shared>>)
      tpu.yield
    }) : () -> ()
    %barrier3A = arith.constant 0 : index
    tpu.barrier barrier_id(%barrier3A)
    %mul3A_9 = arith.constant 1024 : i32
    %mul3A_10 = arith.muli %arg1, %mul3A_9 : i32
    "tpu.region"() ({
      %run_scoped3A = tpu.sem_alloc : memref<!tpu.dma_semaphore, #tpu.memory_space<semaphore_mem>>
      %dma_start3A = arith.constant 0 : i32
      %dma_start3A_19 = tpu.memref_slice %arg9[%dma_start3A, %mul3A_10] : memref<16x16384xi32, #tpu.memory_space<vmem_shared>> -> memref<16x1024xi32, #tpu.memory_space<vmem_shared>>
      %dma_start3A_20 = arith.constant 0 : i32
      %dma_start3A_21 = tpu.memref_slice %arg9[%dma_start3A_20, %mul3A_10] : memref<16x16384xi32, #tpu.memory_space<vmem_shared>> -> memref<16x1024xi32, #tpu.memory_space<vmem_shared>>
      tpu.enqueue_dma source(%dma_start3A_21 : memref<16x1024xi32, #tpu.memory_space<vmem_shared>>) target(%arg7 : memref<16x1024xi32, #tpu.memory_space<vmem>>) target_semaphore(%run_scoped3A : memref<!tpu.dma_semaphore, #tpu.memory_space<semaphore_mem>>)
      %dma_wait3A = arith.constant 0 : i32
      %dma_wait3A_22 = tpu.memref_slice %arg9[%dma_wait3A, %mul3A_10] : memref<16x16384xi32, #tpu.memory_space<vmem_shared>> -> memref<16x1024xi32, #tpu.memory_space<vmem_shared>>
      %dma_wait3A_23 = arith.constant 0 : i32
      %dma_wait3A_24 = tpu.memref_slice %arg9[%dma_wait3A_23, %mul3A_10] : memref<16x16384xi32, #tpu.memory_space<vmem_shared>> -> memref<16x1024xi32, #tpu.memory_space<vmem_shared>>
      tpu.wait_dma2 semaphore(%run_scoped3A : memref<!tpu.dma_semaphore, #tpu.memory_space<semaphore_mem>>) src(%dma_wait3A_24 : memref<16x1024xi32, #tpu.memory_space<vmem_shared>>) dst(%arg7 : memref<16x1024xi32, #tpu.memory_space<vmem>>)
      tpu.yield
    }) : () -> ()
    %scan3A_11 = arith.constant 0 : i32
    %scan3A_12 = arith.constant 0 : i32
    %scan3A_13 = arith.constant 64 : i32
    %scan3A_14 = arith.addi %scan3A_12, %scan3A_13 : i32
    %scan3A_15 = arith.constant 1 : i32
    scf.for %scan3A_19 = %scan3A_12 to %scan3A_14 step %scan3A_15  : i32 {
      %mul3A_20 = arith.constant 16 : i32
      %mul3A_21 = arith.muli %scan3A_19, %mul3A_20 : i32
      %get3A = arith.constant 0 : i32
      %get3A_22 = arith.index_cast %get3A : i32 to index
      %get3A_23 = arith.index_cast %mul3A_21 : i32 to index
      %get3A_24 = tpu.vector_load %arg7[%get3A_22, %get3A_23] {strides = array<i32>} : memref<16x1024xi32, #tpu.memory_space<vmem>>, vector<16xi32>,
      %mul3A_25 = arith.constant 16 : i32
      %mul3A_26 = arith.muli %scan3A_19, %mul3A_25 : i32
      %get3A_27 = arith.constant 1 : i32
      %get3A_28 = arith.index_cast %get3A_27 : i32 to index
      %get3A_29 = arith.index_cast %mul3A_26 : i32 to index
      %get3A_30 = tpu.vector_load %arg7[%get3A_28, %get3A_29] {strides = array<i32>} : memref<16x1024xi32, #tpu.memory_space<vmem>>, vector<16xi32>,
      %add3A_31 = arith.addi %get3A_24, %get3A_30 : vector<16xi32>
      %mul3A_32 = arith.constant 16 : i32
      %mul3A_33 = arith.muli %scan3A_19, %mul3A_32 : i32
      %get3A_34 = arith.constant 2 : i32
      %get3A_35 = arith.index_cast %get3A_34 : i32 to index
      %get3A_36 = arith.index_cast %mul3A_33 : i32 to index
      %get3A_37 = tpu.vector_load %arg7[%get3A_35, %get3A_36] {strides = array<i32>} : memref<16x1024xi32, #tpu.memory_space<vmem>>, vector<16xi32>,
      %add3A_38 = arith.addi %add3A_31, %get3A_37 : vector<16xi32>
      %mul3A_39 = arith.constant 16 : i32
      %mul3A_40 = arith.muli %scan3A_19, %mul3A_39 : i32
      %get3A_41 = arith.constant 3 : i32
      %get3A_42 = arith.index_cast %get3A_41 : i32 to index
      %get3A_43 = arith.index_cast %mul3A_40 : i32 to index
      %get3A_44 = tpu.vector_load %arg7[%get3A_42, %get3A_43] {strides = array<i32>} : memref<16x1024xi32, #tpu.memory_space<vmem>>, vector<16xi32>,
      %add3A_45 = arith.addi %add3A_38, %get3A_44 : vector<16xi32>
      %mul3A_46 = arith.constant 16 : i32
      %mul3A_47 = arith.muli %scan3A_19, %mul3A_46 : i32
      %get3A_48 = arith.constant 4 : i32
      %get3A_49 = arith.index_cast %get3A_48 : i32 to index
      %get3A_50 = arith.index_cast %mul3A_47 : i32 to index
      %get3A_51 = tpu.vector_load %arg7[%get3A_49, %get3A_50] {strides = array<i32>} : memref<16x1024xi32, #tpu.memory_space<vmem>>, vector<16xi32>,
      %add3A_52 = arith.addi %add3A_45, %get3A_51 : vector<16xi32>
      %mul3A_53 = arith.constant 16 : i32
      %mul3A_54 = arith.muli %scan3A_19, %mul3A_53 : i32
      %get3A_55 = arith.constant 5 : i32
      %get3A_56 = arith.index_cast %get3A_55 : i32 to index
      %get3A_57 = arith.index_cast %mul3A_54 : i32 to index
      %get3A_58 = tpu.vector_load %arg7[%get3A_56, %get3A_57] {strides = array<i32>} : memref<16x1024xi32, #tpu.memory_space<vmem>>, vector<16xi32>,
      %add3A_59 = arith.addi %add3A_52, %get3A_58 : vector<16xi32>
      %mul3A_60 = arith.constant 16 : i32
      %mul3A_61 = arith.muli %scan3A_19, %mul3A_60 : i32
      %get3A_62 = arith.constant 6 : i32
      %get3A_63 = arith.index_cast %get3A_62 : i32 to index
      %get3A_64 = arith.index_cast %mul3A_61 : i32 to index
      %get3A_65 = tpu.vector_load %arg7[%get3A_63, %get3A_64] {strides = array<i32>} : memref<16x1024xi32, #tpu.memory_space<vmem>>, vector<16xi32>,
      %add3A_66 = arith.addi %add3A_59, %get3A_65 : vector<16xi32>
      %mul3A_67 = arith.constant 16 : i32
      %mul3A_68 = arith.muli %scan3A_19, %mul3A_67 : i32
      %get3A_69 = arith.constant 7 : i32
      %get3A_70 = arith.index_cast %get3A_69 : i32 to index
      %get3A_71 = arith.index_cast %mul3A_68 : i32 to index
      %get3A_72 = tpu.vector_load %arg7[%get3A_70, %get3A_71] {strides = array<i32>} : memref<16x1024xi32, #tpu.memory_space<vmem>>, vector<16xi32>,
      %add3A_73 = arith.addi %add3A_66, %get3A_72 : vector<16xi32>
      %mul3A_74 = arith.constant 16 : i32
      %mul3A_75 = arith.muli %scan3A_19, %mul3A_74 : i32
      %get3A_76 = arith.constant 8 : i32
      %get3A_77 = arith.index_cast %get3A_76 : i32 to index
      %get3A_78 = arith.index_cast %mul3A_75 : i32 to index
      %get3A_79 = tpu.vector_load %arg7[%get3A_77, %get3A_78] {strides = array<i32>} : memref<16x1024xi32, #tpu.memory_space<vmem>>, vector<16xi32>,
      %add3A_80 = arith.addi %add3A_73, %get3A_79 : vector<16xi32>
      %mul3A_81 = arith.constant 16 : i32
      %mul3A_82 = arith.muli %scan3A_19, %mul3A_81 : i32
      %get3A_83 = arith.constant 9 : i32
      %get3A_84 = arith.index_cast %get3A_83 : i32 to index
      %get3A_85 = arith.index_cast %mul3A_82 : i32 to index
      %get3A_86 = tpu.vector_load %arg7[%get3A_84, %get3A_85] {strides = array<i32>} : memref<16x1024xi32, #tpu.memory_space<vmem>>, vector<16xi32>,
      %add3A_87 = arith.addi %add3A_80, %get3A_86 : vector<16xi32>
      %mul3A_88 = arith.constant 16 : i32
      %mul3A_89 = arith.muli %scan3A_19, %mul3A_88 : i32
      %get3A_90 = arith.constant 10 : i32
      %get3A_91 = arith.index_cast %get3A_90 : i32 to index
      %get3A_92 = arith.index_cast %mul3A_89 : i32 to index
      %get3A_93 = tpu.vector_load %arg7[%get3A_91, %get3A_92] {strides = array<i32>} : memref<16x1024xi32, #tpu.memory_space<vmem>>, vector<16xi32>,
      %add3A_94 = arith.addi %add3A_87, %get3A_93 : vector<16xi32>
      %mul3A_95 = arith.constant 16 : i32
      %mul3A_96 = arith.muli %scan3A_19, %mul3A_95 : i32
      %get3A_97 = arith.constant 11 : i32
      %get3A_98 = arith.index_cast %get3A_97 : i32 to index
      %get3A_99 = arith.index_cast %mul3A_96 : i32 to index
      %get3A_100 = tpu.vector_load %arg7[%get3A_98, %get3A_99] {strides = array<i32>} : memref<16x1024xi32, #tpu.memory_space<vmem>>, vector<16xi32>,
      %add3A_101 = arith.addi %add3A_94, %get3A_100 : vector<16xi32>
      %mul3A_102 = arith.constant 16 : i32
      %mul3A_103 = arith.muli %scan3A_19, %mul3A_102 : i32
      %get3A_104 = arith.constant 12 : i32
      %get3A_105 = arith.index_cast %get3A_104 : i32 to index
      %get3A_106 = arith.index_cast %mul3A_103 : i32 to index
      %get3A_107 = tpu.vector_load %arg7[%get3A_105, %get3A_106] {strides = array<i32>} : memref<16x1024xi32, #tpu.memory_space<vmem>>, vector<16xi32>,
      %add3A_108 = arith.addi %add3A_101, %get3A_107 : vector<16xi32>
      %mul3A_109 = arith.constant 16 : i32
      %mul3A_110 = arith.muli %scan3A_19, %mul3A_109 : i32
      %get3A_111 = arith.constant 13 : i32
      %get3A_112 = arith.index_cast %get3A_111 : i32 to index
      %get3A_113 = arith.index_cast %mul3A_110 : i32 to index
      %get3A_114 = tpu.vector_load %arg7[%get3A_112, %get3A_113] {strides = array<i32>} : memref<16x1024xi32, #tpu.memory_space<vmem>>, vector<16xi32>,
      %add3A_115 = arith.addi %add3A_108, %get3A_114 : vector<16xi32>
      %mul3A_116 = arith.constant 16 : i32
      %mul3A_117 = arith.muli %scan3A_19, %mul3A_116 : i32
      %get3A_118 = arith.constant 14 : i32
      %get3A_119 = arith.index_cast %get3A_118 : i32 to index
      %get3A_120 = arith.index_cast %mul3A_117 : i32 to index
      %get3A_121 = tpu.vector_load %arg7[%get3A_119, %get3A_120] {strides = array<i32>} : memref<16x1024xi32, #tpu.memory_space<vmem>>, vector<16xi32>,
      %add3A_122 = arith.addi %add3A_115, %get3A_121 : vector<16xi32>
      %mul3A_123 = arith.constant 16 : i32
      %mul3A_124 = arith.muli %scan3A_19, %mul3A_123 : i32
      %get3A_125 = arith.constant 15 : i32
      %get3A_126 = arith.index_cast %get3A_125 : i32 to index
      %get3A_127 = arith.index_cast %mul3A_124 : i32 to index
      %get3A_128 = tpu.vector_load %arg7[%get3A_126, %get3A_127] {strides = array<i32>} : memref<16x1024xi32, #tpu.memory_space<vmem>>, vector<16xi32>,
      %add3A_129 = arith.addi %add3A_122, %get3A_128 : vector<16xi32>
      %jit3A = arith.constant 8 : i32
      %div3A = arith.divsi %scan3A_19, %jit3A : i32
      %sign3A = arith.constant 0 : i32
      %sign3A_130 = arith.cmpi sgt, %scan3A_19, %sign3A : i32
      %sign3A_131 = arith.extui %sign3A_130 : i1 to i32
      %sign3A_132 = arith.constant 0 : i32
      %sign3A_133 = arith.cmpi slt, %scan3A_19, %sign3A_132 : i32
      %sign3A_134 = arith.extui %sign3A_133 : i1 to i32
      %sign3A_135 = arith.subi %sign3A_131, %sign3A_134 : i32
      %sign3A_136 = arith.constant 0 : i32
      %sign3A_137 = arith.cmpi sgt, %jit3A, %sign3A_136 : i32
      %sign3A_138 = arith.extui %sign3A_137 : i1 to i32
      %sign3A_139 = arith.constant 0 : i32
      %sign3A_140 = arith.cmpi slt, %jit3A, %sign3A_139 : i32
      %sign3A_141 = arith.extui %sign3A_140 : i1 to i32
      %sign3A_142 = arith.subi %sign3A_138, %sign3A_141 : i32
      %ne3A = arith.cmpi ne, %sign3A_135, %sign3A_142 : i32
      %rem3A = arith.remsi %scan3A_19, %jit3A : i32
      %ne3A_143 = arith.constant 0 : i32
      %ne3A_144 = arith.cmpi ne, %rem3A, %ne3A_143 : i32
      %and3A = arith.andi %ne3A, %ne3A_144 : i1
      %sub3A = arith.constant 1 : i32
      %sub3A_145 = arith.subi %div3A, %sub3A : i32
      %select_n3A = arith.select %and3A, %sub3A_145, %div3A : i32
      %jit3A_146 = arith.constant 8 : i32
      %eq3A = arith.constant 0 : i32
      %eq3A_147 = arith.cmpi eq, %jit3A_146, %eq3A : i32
      %jit3A_148 = arith.constant 1 : i32
      %select_n3A_149 = arith.select %eq3A_147, %jit3A_148, %jit3A_146 : i32
      %rem3A_150 = arith.remsi %scan3A_19, %select_n3A_149 : i32
      %ne3A_151 = arith.constant 0 : i32
      %ne3A_152 = arith.cmpi ne, %rem3A_150, %ne3A_151 : i32
      %lt3A = arith.constant 0 : i32
      %lt3A_153 = arith.cmpi slt, %rem3A_150, %lt3A : i32
      %lt3A_154 = arith.constant 0 : i32
      %lt3A_155 = arith.cmpi slt, %select_n3A_149, %lt3A_154 : i32
      %ne3A_156 = arith.xori %lt3A_153, %lt3A_155 : i1
      %and3A_157 = arith.andi %ne3A_156, %ne3A_152 : i1
      %add3A_158 = arith.addi %rem3A_150, %select_n3A_149 : i32
      %select_n3A_159 = arith.select %and3A_157, %add3A_158, %rem3A_150 : i32
      %mul3A_160 = arith.constant 16 : i32
      %mul3A_161 = arith.muli %select_n3A_159, %mul3A_160 : i32
      %swap3A = arith.index_cast %select_n3A : i32 to index
      %swap3A_162 = arith.index_cast %mul3A_161 : i32 to index
      %swap3A_163 = tpu.vector_load %arg8[%swap3A, %swap3A_162] {strides = array<i32>} : memref<8x128xi32, #tpu.memory_space<vmem>>, vector<16xi32>,
      tpu.vector_store %arg8[%swap3A, %swap3A_162], %add3A_129 {strides = array<i32>} : memref<8x128xi32, #tpu.memory_space<vmem>>, vector<16xi32>,
    }
    %scan3A_16 = arith.constant 64 : i32
    %mul3A_17 = arith.constant 8 : i32
    %mul3A_18 = arith.muli %arg1, %mul3A_17 : i32
    "tpu.region"() ({
      %run_scoped3A = tpu.sem_alloc : memref<!tpu.dma_semaphore, #tpu.memory_space<semaphore_mem>>
      %dma_start3A = arith.constant 0 : i32
      %dma_start3A_19 = tpu.memref_slice %arg4[%arg0, %mul3A_18, %dma_start3A] : memref<2x128x128xi32, #tpu.memory_space<hbm>> -> memref<1x8x128xi32, #tpu.memory_space<hbm>>
      %dma_start3A_20 = tpu.memref_squeeze %dma_start3A_19 : memref<1x8x128xi32, #tpu.memory_space<hbm>> -> memref<8x128xi32, #tpu.memory_space<hbm>>
      %dma_start3A_21 = arith.constant 0 : i32
      %dma_start3A_22 = tpu.memref_slice %arg4[%arg0, %mul3A_18, %dma_start3A_21] : memref<2x128x128xi32, #tpu.memory_space<hbm>> -> memref<1x8x128xi32, #tpu.memory_space<hbm>>
      %dma_start3A_23 = tpu.memref_squeeze %dma_start3A_22 : memref<1x8x128xi32, #tpu.memory_space<hbm>> -> memref<8x128xi32, #tpu.memory_space<hbm>>
      tpu.enqueue_dma source(%arg8 : memref<8x128xi32, #tpu.memory_space<vmem>>) target(%dma_start3A_23 : memref<8x128xi32, #tpu.memory_space<hbm>>) target_semaphore(%run_scoped3A : memref<!tpu.dma_semaphore, #tpu.memory_space<semaphore_mem>>)
      %dma_wait3A = arith.constant 0 : i32
      %dma_wait3A_24 = tpu.memref_slice %arg4[%arg0, %mul3A_18, %dma_wait3A] : memref<2x128x128xi32, #tpu.memory_space<hbm>> -> memref<1x8x128xi32, #tpu.memory_space<hbm>>
      %dma_wait3A_25 = tpu.memref_squeeze %dma_wait3A_24 : memref<1x8x128xi32, #tpu.memory_space<hbm>> -> memref<8x128xi32, #tpu.memory_space<hbm>>
      %dma_wait3A_26 = arith.constant 0 : i32
      %dma_wait3A_27 = tpu.memref_slice %arg4[%arg0, %mul3A_18, %dma_wait3A_26] : memref<2x128x128xi32, #tpu.memory_space<hbm>> -> memref<1x8x128xi32, #tpu.memory_space<hbm>>
      %dma_wait3A_28 = tpu.memref_squeeze %dma_wait3A_27 : memref<1x8x128xi32, #tpu.memory_space<hbm>> -> memref<8x128xi32, #tpu.memory_space<hbm>>
      tpu.wait_dma2 semaphore(%run_scoped3A : memref<!tpu.dma_semaphore, #tpu.memory_space<semaphore_mem>>) src(%arg8 : memref<8x128xi32, #tpu.memory_space<vmem>>) dst(%dma_wait3A_28 : memref<8x128xi32, #tpu.memory_space<hbm>>)
      tpu.yield
    }) : () -> ()
    return
  }
}

#map = affine_map<(d0, d1) -> (0, 0)>
#map1 = affine_map<(d0, d1) -> (0)>
#map2 = affine_map<(d0, d1) -> (0, 0, 0)>
module attributes {stable_mosaic.version = 14 : i64} {
  func.func @_agg_kernel(%arg0: i32, %arg1: i32, %arg2: memref<10000x128xf32, #tpu.memory_space<hbm>>, %arg3: memref<323584xi32, #tpu.memory_space<hbm>>, %arg4: memref<323584xi32, #tpu.memory_space<hbm>>, %arg5: memref<10112x128xf32, #tpu.memory_space<hbm>>, %arg6: memref<2x10112x128xf32, #tpu.memory_space<hbm>>, %arg7: memref<128xi32, #tpu.memory_space<vmem>>, %arg8: memref<128xi32, #tpu.memory_space<vmem>>, %arg9: memref<128x128xf32, #tpu.memory_space<vmem>>, %arg10: memref<10112x128xf32, #tpu.memory_space<vmem_shared>>, %arg11: memref<!tpu.dma_semaphore, #tpu.memory_space<semaphore_mem>>) attributes {dimension_semantics = [#tpu.dimension_semantics<core_parallel>, #tpu.dimension_semantics<subcore_parallel>], iteration_bounds = array<i64: 2, 16>, scalar_prefetch = 0 : i64, scratch_operands = 5 : i64, tpu.core_type = #tpu.core_type<sc_vector_subcore>, window_params = [{transform_indices = #map}, {transform_indices = #map1}, {transform_indices = #map1}, {transform_indices = #map}, {transform_indices = #map2}]} {
    %mul3A = arith.constant 632 : i32
    %mul3A_0 = arith.muli %arg1, %mul3A : i32
    "tpu.region"() ({
      %run_scoped3A = tpu.sem_alloc : memref<!tpu.dma_semaphore, #tpu.memory_space<semaphore_mem>>
      %dma_start3A = arith.constant 0 : i32
      %dma_start3A_11 = tpu.memref_slice %arg10[%mul3A_0, %dma_start3A] : memref<10112x128xf32, #tpu.memory_space<vmem_shared>> -> memref<632x128xf32, #tpu.memory_space<vmem_shared>>
      %dma_start3A_12 = arith.constant 0 : i32
      %dma_start3A_13 = tpu.memref_slice %arg5[%mul3A_0, %dma_start3A_12] : memref<10112x128xf32, #tpu.memory_space<hbm>> -> memref<632x128xf32, #tpu.memory_space<hbm>>
      tpu.enqueue_dma source(%dma_start3A_13 : memref<632x128xf32, #tpu.memory_space<hbm>>) target(%dma_start3A_11 : memref<632x128xf32, #tpu.memory_space<vmem_shared>>) target_semaphore(%run_scoped3A : memref<!tpu.dma_semaphore, #tpu.memory_space<semaphore_mem>>)
      %dma_wait3A = arith.constant 0 : i32
      %dma_wait3A_14 = tpu.memref_slice %arg10[%mul3A_0, %dma_wait3A] : memref<10112x128xf32, #tpu.memory_space<vmem_shared>> -> memref<632x128xf32, #tpu.memory_space<vmem_shared>>
      %dma_wait3A_15 = arith.constant 0 : i32
      %dma_wait3A_16 = tpu.memref_slice %arg5[%mul3A_0, %dma_wait3A_15] : memref<10112x128xf32, #tpu.memory_space<hbm>> -> memref<632x128xf32, #tpu.memory_space<hbm>>
      tpu.wait_dma2 semaphore(%run_scoped3A : memref<!tpu.dma_semaphore, #tpu.memory_space<semaphore_mem>>) src(%dma_wait3A_16 : memref<632x128xf32, #tpu.memory_space<hbm>>) dst(%dma_wait3A_14 : memref<632x128xf32, #tpu.memory_space<vmem_shared>>)
      tpu.yield
    }) : () -> ()
    %mul3A_1 = arith.constant 16 : i32
    %mul3A_2 = arith.muli %arg0, %mul3A_1 : i32
    %add3A = arith.addi %mul3A_2, %arg1 : i32
    %mul3A_3 = arith.constant 10112 : i32
    %mul3A_4 = arith.muli %add3A, %mul3A_3 : i32
    %barrier3A = arith.constant 0 : index
    tpu.barrier barrier_id(%barrier3A)
    %scan3A = arith.constant 0 : i32
    %scan3A_5 = arith.constant 0 : i32
    %scan3A_6 = arith.constant 79 : i32
    %scan3A_7 = arith.addi %scan3A_5, %scan3A_6 : i32
    %scan3A_8 = arith.constant 1 : i32
    scf.for %scan3A_11 = %scan3A_5 to %scan3A_7 step %scan3A_8  : i32 {
      %mul3A_12 = arith.constant 128 : i32
      %mul3A_13 = arith.muli %scan3A_11, %mul3A_12 : i32
      %add3A_14 = arith.addi %mul3A_4, %mul3A_13 : i32
      "tpu.region"() ({
        %run_scoped3A = tpu.sem_alloc : memref<!tpu.dma_semaphore, #tpu.memory_space<semaphore_mem>>
        %dma_start3A_19 = tpu.memref_slice %arg3[%add3A_14] : memref<323584xi32, #tpu.memory_space<hbm>> -> memref<128xi32, #tpu.memory_space<hbm>>
        %dma_start3A_20 = tpu.memref_slice %arg3[%add3A_14] : memref<323584xi32, #tpu.memory_space<hbm>> -> memref<128xi32, #tpu.memory_space<hbm>>
        tpu.enqueue_dma source(%dma_start3A_20 : memref<128xi32, #tpu.memory_space<hbm>>) target(%arg7 : memref<128xi32, #tpu.memory_space<vmem>>) target_semaphore(%run_scoped3A : memref<!tpu.dma_semaphore, #tpu.memory_space<semaphore_mem>>)
        %dma_wait3A_21 = tpu.memref_slice %arg3[%add3A_14] : memref<323584xi32, #tpu.memory_space<hbm>> -> memref<128xi32, #tpu.memory_space<hbm>>
        %dma_wait3A_22 = tpu.memref_slice %arg3[%add3A_14] : memref<323584xi32, #tpu.memory_space<hbm>> -> memref<128xi32, #tpu.memory_space<hbm>>
        tpu.wait_dma2 semaphore(%run_scoped3A : memref<!tpu.dma_semaphore, #tpu.memory_space<semaphore_mem>>) src(%dma_wait3A_22 : memref<128xi32, #tpu.memory_space<hbm>>) dst(%arg7 : memref<128xi32, #tpu.memory_space<vmem>>)
        tpu.yield
      }) : () -> ()
      "tpu.region"() ({
        %run_scoped3A = tpu.sem_alloc : memref<!tpu.dma_semaphore, #tpu.memory_space<semaphore_mem>>
        %dma_start3A_19 = tpu.memref_slice %arg4[%add3A_14] : memref<323584xi32, #tpu.memory_space<hbm>> -> memref<128xi32, #tpu.memory_space<hbm>>
        %dma_start3A_20 = tpu.memref_slice %arg4[%add3A_14] : memref<323584xi32, #tpu.memory_space<hbm>> -> memref<128xi32, #tpu.memory_space<hbm>>
        tpu.enqueue_dma source(%dma_start3A_20 : memref<128xi32, #tpu.memory_space<hbm>>) target(%arg8 : memref<128xi32, #tpu.memory_space<vmem>>) target_semaphore(%run_scoped3A : memref<!tpu.dma_semaphore, #tpu.memory_space<semaphore_mem>>)
        %dma_wait3A_21 = tpu.memref_slice %arg4[%add3A_14] : memref<323584xi32, #tpu.memory_space<hbm>> -> memref<128xi32, #tpu.memory_space<hbm>>
        %dma_wait3A_22 = tpu.memref_slice %arg4[%add3A_14] : memref<323584xi32, #tpu.memory_space<hbm>> -> memref<128xi32, #tpu.memory_space<hbm>>
        tpu.wait_dma2 semaphore(%run_scoped3A : memref<!tpu.dma_semaphore, #tpu.memory_space<semaphore_mem>>) src(%dma_wait3A_22 : memref<128xi32, #tpu.memory_space<hbm>>) dst(%arg8 : memref<128xi32, #tpu.memory_space<vmem>>)
        tpu.yield
      }) : () -> ()
      %dma_start3A = arith.constant 0 : i32
      %dma_start3A_15 = arith.constant 0 : i32
      %dma_start3A_16 = tpu.memref_slice %arg2[%dma_start3A, %dma_start3A_15] : memref<10000x128xf32, #tpu.memory_space<hbm>> -> memref<10000x128xf32, #tpu.memory_space<hbm>>
      tpu.enqueue_indirect_dma source(%dma_start3A_16 : memref<10000x128xf32, #tpu.memory_space<hbm>>) target(%arg9 : memref<128x128xf32, #tpu.memory_space<vmem>>) offsets(%arg7 : memref<128xi32, #tpu.memory_space<vmem>>) semaphore(%arg11 : memref<!tpu.dma_semaphore, #tpu.memory_space<semaphore_mem>>)
      %dma_wait3A = arith.constant 0 : i32
      %dma_wait3A_17 = arith.constant 0 : i32
      %dma_wait3A_18 = tpu.memref_slice %arg2[%dma_wait3A, %dma_wait3A_17] : memref<10000x128xf32, #tpu.memory_space<hbm>> -> memref<10000x128xf32, #tpu.memory_space<hbm>>
      tpu.wait_indirect_dma semaphore(%arg11 : memref<!tpu.dma_semaphore, #tpu.memory_space<semaphore_mem>>) src(%dma_wait3A_18 : memref<10000x128xf32, #tpu.memory_space<hbm>>) dst(%arg9 : memref<128x128xf32, #tpu.memory_space<vmem>>)
      "tpu.region"() ({
        %run_scoped3A = tpu.sem_alloc : memref<!tpu.dma_semaphore, #tpu.memory_space<semaphore_mem>>
        %dma_start3A_19 = arith.constant 0 : i32
        %dma_start3A_20 = arith.constant 0 : i32
        %dma_start3A_21 = tpu.memref_slice %arg10[%dma_start3A_19, %dma_start3A_20] : memref<10112x128xf32, #tpu.memory_space<vmem_shared>> -> memref<10112x128xf32, #tpu.memory_space<vmem_shared>>
        tpu.enqueue_indirect_dma source(%arg9 : memref<128x128xf32, #tpu.memory_space<vmem>>) target(%dma_start3A_21 : memref<10112x128xf32, #tpu.memory_space<vmem_shared>>) offsets(%arg8 : memref<128xi32, #tpu.memory_space<vmem>>) semaphore(%run_scoped3A : memref<!tpu.dma_semaphore, #tpu.memory_space<semaphore_mem>>) {add = true}
        %dma_wait3A_22 = arith.constant 0 : i32
        %dma_wait3A_23 = arith.constant 0 : i32
        %dma_wait3A_24 = tpu.memref_slice %arg10[%dma_wait3A_22, %dma_wait3A_23] : memref<10112x128xf32, #tpu.memory_space<vmem_shared>> -> memref<10112x128xf32, #tpu.memory_space<vmem_shared>>
        tpu.wait_indirect_dma semaphore(%run_scoped3A : memref<!tpu.dma_semaphore, #tpu.memory_space<semaphore_mem>>) src(%arg9 : memref<128x128xf32, #tpu.memory_space<vmem>>) dst(%dma_wait3A_24 : memref<10112x128xf32, #tpu.memory_space<vmem_shared>>)
        tpu.yield
      }) : () -> ()
    }
    %scan3A_9 = arith.constant 79 : i32
    %barrier3A_10 = arith.constant 0 : index
    tpu.barrier barrier_id(%barrier3A_10)
    "tpu.region"() ({
      %run_scoped3A = tpu.sem_alloc : memref<!tpu.dma_semaphore, #tpu.memory_space<semaphore_mem>>
      %dma_start3A = arith.constant 0 : i32
      %dma_start3A_11 = tpu.memref_slice %arg6[%arg0, %mul3A_0, %dma_start3A] : memref<2x10112x128xf32, #tpu.memory_space<hbm>> -> memref<1x632x128xf32, #tpu.memory_space<hbm>>
      %dma_start3A_12 = tpu.memref_squeeze %dma_start3A_11 : memref<1x632x128xf32, #tpu.memory_space<hbm>> -> memref<632x128xf32, #tpu.memory_space<hbm>>
      %dma_start3A_13 = arith.constant 0 : i32
      %dma_start3A_14 = tpu.memref_slice %arg10[%mul3A_0, %dma_start3A_13] : memref<10112x128xf32, #tpu.memory_space<vmem_shared>> -> memref<632x128xf32, #tpu.memory_space<vmem_shared>>
      tpu.enqueue_dma source(%dma_start3A_14 : memref<632x128xf32, #tpu.memory_space<vmem_shared>>) target(%dma_start3A_12 : memref<632x128xf32, #tpu.memory_space<hbm>>) target_semaphore(%run_scoped3A : memref<!tpu.dma_semaphore, #tpu.memory_space<semaphore_mem>>)
      %dma_wait3A = arith.constant 0 : i32
      %dma_wait3A_15 = tpu.memref_slice %arg6[%arg0, %mul3A_0, %dma_wait3A] : memref<2x10112x128xf32, #tpu.memory_space<hbm>> -> memref<1x632x128xf32, #tpu.memory_space<hbm>>
      %dma_wait3A_16 = tpu.memref_squeeze %dma_wait3A_15 : memref<1x632x128xf32, #tpu.memory_space<hbm>> -> memref<632x128xf32, #tpu.memory_space<hbm>>
      %dma_wait3A_17 = arith.constant 0 : i32
      %dma_wait3A_18 = tpu.memref_slice %arg10[%mul3A_0, %dma_wait3A_17] : memref<10112x128xf32, #tpu.memory_space<vmem_shared>> -> memref<632x128xf32, #tpu.memory_space<vmem_shared>>
      tpu.wait_dma2 semaphore(%run_scoped3A : memref<!tpu.dma_semaphore, #tpu.memory_space<semaphore_mem>>) src(%dma_wait3A_18 : memref<632x128xf32, #tpu.memory_space<vmem_shared>>) dst(%dma_wait3A_16 : memref<632x128xf32, #tpu.memory_space<hbm>>)
      tpu.yield
    }) : () -> ()
    return
  }
}

module attributes {stable_mosaic.version = 14 : i64} {
  func.func @_y_body(%arg0: i32, %arg1: memref<1000x1xi32, #tpu.memory_space<vmem>>, %arg2: memref<1000x1xi32, #tpu.memory_space<vmem>>, %arg3: memref<1000x128xf32, #tpu.memory_space<vmem>>, %arg4: memref<128x128xf32, #tpu.memory_space<vmem>>, %arg5: memref<1000x128xf32, #tpu.memory_space<vmem>>) attributes {dimension_semantics = [#tpu.dimension_semantics<arbitrary>], iteration_bounds = array<i64: 10>, scalar_prefetch = 0 : i64, scratch_operands = 0 : i64, tpu.core_type = #tpu.core_type<tc>, window_params = [{transform_indices = @transform_0, window_bounds = array<i64: 1000, 1>}, {transform_indices = @transform_1, window_bounds = array<i64: 1000, 1>}, {transform_indices = @transform_2, window_bounds = array<i64: 1000, 128>}, {pipeline_mode = #tpu.pipeline_mode<synchronous>, transform_indices = @transform_3, window_bounds = array<i64: 128, 128>}, {transform_indices = @transform_4, window_bounds = array<i64: 1000, 128>}]} {
    %get3A = arith.constant 0 : index
    %get3A_0 = arith.constant 0 : index
    %get3A_1 = vector.load %arg1[%get3A, %get3A_0] : memref<1000x1xi32, #tpu.memory_space<vmem>>, vector<1000x1xi32>
    %get3A_2 = arith.constant 0 : index
    %get3A_3 = arith.constant 0 : index
    %get3A_4 = vector.load %arg2[%get3A_2, %get3A_3] : memref<1000x1xi32, #tpu.memory_space<vmem>>, vector<1000x1xi32>
    %add3A = arith.addi %get3A_1, %get3A_4 : vector<1000x1xi32>
    %convert_element_type3A = arith.sitofp %add3A : vector<1000x1xi32> to vector<1000x1xf32>
    %add3A_5 = arith.constant 1.000000e+00 : f32
    %add3A_6 = vector.broadcast %add3A_5 : f32 to vector<1000x1xf32>
    %add3A_7 = arith.addf %convert_element_type3A, %add3A_6 : vector<1000x1xf32>
    %rsqrt3A = math.rsqrt %add3A_7 : vector<1000x1xf32>
    %get3A_8 = arith.constant 0 : index
    %get3A_9 = arith.constant 0 : index
    %get3A_10 = vector.load %arg3[%get3A_8, %get3A_9] : memref<1000x128xf32, #tpu.memory_space<vmem>>, vector<1000x128xf32>
    %get3A_11 = arith.constant 0 : index
    %get3A_12 = arith.constant 0 : index
    %get3A_13 = vector.load %arg4[%get3A_11, %get3A_12] : memref<128x128xf32, #tpu.memory_space<vmem>>, vector<128x128xf32>
    %dot_general3A = arith.constant dense<0.000000e+00> : vector<1000x128xf32>
    %dot_general3A_14 = tpu.matmul %get3A_10, %get3A_13, %dot_general3A {dimension_numbers = #tpu.dot_dimension_numbers<[1], [0], [0], [1], [0, 0, 1, 1], [], []>, transpose_lhs_hint = false} : vector<1000x128xf32>, vector<128x128xf32>, vector<1000x128xf32> -> vector<1000x128xf32>
    %mul3A = vector.broadcast %rsqrt3A : vector<1000x1xf32> to vector<1000x128xf32>
    %mul3A_15 = arith.mulf %dot_general3A_14, %mul3A : vector<1000x128xf32>
    %swap3A = arith.constant 0 : index
    %swap3A_16 = arith.constant 0 : index
    %swap3A_17 = vector.load %arg5[%swap3A, %swap3A_16] : memref<1000x128xf32, #tpu.memory_space<vmem>>, vector<1000x128xf32>
    tpu.vector_store %arg5[%swap3A, %swap3A_16], %mul3A_15 {strides = array<i32>} : memref<1000x128xf32, #tpu.memory_space<vmem>>, vector<1000x128xf32>,
    return
  }
  func.func @transform_0(%arg0: i32) -> (i32, i32) {
    %c0_i32 = arith.constant 0 : i32
    %c0_i32_0 = arith.constant 0 : i32
    return %arg0, %c0_i32 : i32, i32
  }
  func.func @transform_1(%arg0: i32) -> (i32, i32) {
    %c0_i32 = arith.constant 0 : i32
    %c0_i32_0 = arith.constant 0 : i32
    return %arg0, %c0_i32 : i32, i32
  }
  func.func @transform_2(%arg0: i32) -> (i32, i32) {
    %c0_i32 = arith.constant 0 : i32
    %c0_i32_0 = arith.constant 0 : i32
    return %arg0, %c0_i32 : i32, i32
  }
  func.func @transform_3(%arg0: i32) -> (i32, i32) {
    %c0_i32 = arith.constant 0 : i32
    %c0_i32_0 = arith.constant 0 : i32
    %c0_i32_1 = arith.constant 0 : i32
    return %c0_i32, %c0_i32_0 : i32, i32
  }
  func.func @transform_4(%arg0: i32) -> (i32, i32) {
    %c0_i32 = arith.constant 0 : i32
    %c0_i32_0 = arith.constant 0 : i32
    return %arg0, %c0_i32 : i32, i32
  }
}

module attributes {stable_mosaic.version = 14 : i64} {
  func.func @_out_body(%arg0: i32, %arg1: memref<1000x1xi32, #tpu.memory_space<vmem>>, %arg2: memref<1000x1xi32, #tpu.memory_space<vmem>>, %arg3: memref<1000x128xf32, #tpu.memory_space<vmem>>, %arg4: memref<1000x128xf32, #tpu.memory_space<vmem>>, %arg5: memref<1000x128xf32, #tpu.memory_space<vmem>>, %arg6: memref<1x128xf32, #tpu.memory_space<vmem>>, %arg7: memref<1000x128xf32, #tpu.memory_space<vmem>>) attributes {dimension_semantics = [#tpu.dimension_semantics<arbitrary>], iteration_bounds = array<i64: 10>, scalar_prefetch = 0 : i64, scratch_operands = 0 : i64, tpu.core_type = #tpu.core_type<tc>, window_params = [{transform_indices = @transform_0, window_bounds = array<i64: 1000, 1>}, {transform_indices = @transform_1, window_bounds = array<i64: 1000, 1>}, {transform_indices = @transform_2, window_bounds = array<i64: 1000, 128>}, {transform_indices = @transform_3, window_bounds = array<i64: 1000, 128>}, {transform_indices = @transform_4, window_bounds = array<i64: 1000, 128>}, {pipeline_mode = #tpu.pipeline_mode<synchronous>, transform_indices = @transform_5, window_bounds = array<i64: 1, 128>}, {transform_indices = @transform_6, window_bounds = array<i64: 1000, 128>}]} {
    %get3A = arith.constant 0 : index
    %get3A_0 = arith.constant 0 : index
    %get3A_1 = vector.load %arg1[%get3A, %get3A_0] : memref<1000x1xi32, #tpu.memory_space<vmem>>, vector<1000x1xi32>
    %get3A_2 = arith.constant 0 : index
    %get3A_3 = arith.constant 0 : index
    %get3A_4 = vector.load %arg2[%get3A_2, %get3A_3] : memref<1000x1xi32, #tpu.memory_space<vmem>>, vector<1000x1xi32>
    %add3A = arith.addi %get3A_1, %get3A_4 : vector<1000x1xi32>
    %convert_element_type3A = arith.sitofp %add3A : vector<1000x1xi32> to vector<1000x1xf32>
    %add3A_5 = arith.constant 1.000000e+00 : f32
    %add3A_6 = vector.broadcast %add3A_5 : f32 to vector<1000x1xf32>
    %add3A_7 = arith.addf %convert_element_type3A, %add3A_6 : vector<1000x1xf32>
    %rsqrt3A = math.rsqrt %add3A_7 : vector<1000x1xf32>
    %get3A_8 = arith.constant 0 : index
    %get3A_9 = arith.constant 0 : index
    %get3A_10 = vector.load %arg3[%get3A_8, %get3A_9] : memref<1000x128xf32, #tpu.memory_space<vmem>>, vector<1000x128xf32>
    %get3A_11 = arith.constant 0 : index
    %get3A_12 = arith.constant 0 : index
    %get3A_13 = vector.load %arg4[%get3A_11, %get3A_12] : memref<1000x128xf32, #tpu.memory_space<vmem>>, vector<1000x128xf32>
    %add3A_14 = arith.addf %get3A_10, %get3A_13 : vector<1000x128xf32>
    %get3A_15 = arith.constant 0 : index
    %get3A_16 = arith.constant 0 : index
    %get3A_17 = vector.load %arg5[%get3A_15, %get3A_16] : memref<1000x128xf32, #tpu.memory_space<vmem>>, vector<1000x128xf32>
    %add3A_18 = arith.addf %add3A_14, %get3A_17 : vector<1000x128xf32>
    %mul3A = vector.broadcast %rsqrt3A : vector<1000x1xf32> to vector<1000x128xf32>
    %mul3A_19 = arith.mulf %mul3A, %add3A_18 : vector<1000x128xf32>
    %get3A_20 = arith.constant 0 : index
    %get3A_21 = arith.constant 0 : index
    %get3A_22 = vector.load %arg6[%get3A_20, %get3A_21] : memref<1x128xf32, #tpu.memory_space<vmem>>, vector<1x128xf32>
    %add3A_23 = vector.broadcast %get3A_22 : vector<1x128xf32> to vector<1000x128xf32>
    %add3A_24 = arith.addf %mul3A_19, %add3A_23 : vector<1000x128xf32>
    %swap3A = arith.constant 0 : index
    %swap3A_25 = arith.constant 0 : index
    %swap3A_26 = vector.load %arg7[%swap3A, %swap3A_25] : memref<1000x128xf32, #tpu.memory_space<vmem>>, vector<1000x128xf32>
    tpu.vector_store %arg7[%swap3A, %swap3A_25], %add3A_24 {strides = array<i32>} : memref<1000x128xf32, #tpu.memory_space<vmem>>, vector<1000x128xf32>,
    return
  }
  func.func @transform_0(%arg0: i32) -> (i32, i32) {
    %c0_i32 = arith.constant 0 : i32
    %c0_i32_0 = arith.constant 0 : i32
    return %arg0, %c0_i32 : i32, i32
  }
  func.func @transform_1(%arg0: i32) -> (i32, i32) {
    %c0_i32 = arith.constant 0 : i32
    %c0_i32_0 = arith.constant 0 : i32
    return %arg0, %c0_i32 : i32, i32
  }
  func.func @transform_2(%arg0: i32) -> (i32, i32) {
    %c0_i32 = arith.constant 0 : i32
    %c0_i32_0 = arith.constant 0 : i32
    return %arg0, %c0_i32 : i32, i32
  }
  func.func @transform_3(%arg0: i32) -> (i32, i32) {
    %c0_i32 = arith.constant 0 : i32
    %c0_i32_0 = arith.constant 0 : i32
    return %arg0, %c0_i32 : i32, i32
  }
  func.func @transform_4(%arg0: i32) -> (i32, i32) {
    %c0_i32 = arith.constant 0 : i32
    %c0_i32_0 = arith.constant 0 : i32
    return %arg0, %c0_i32 : i32, i32
  }
  func.func @transform_5(%arg0: i32) -> (i32, i32) {
    %c0_i32 = arith.constant 0 : i32
    %c0_i32_0 = arith.constant 0 : i32
    %c0_i32_1 = arith.constant 0 : i32
    return %c0_i32, %c0_i32_0 : i32, i32
  }
  func.func @transform_6(%arg0: i32) -> (i32, i32) {
    %c0_i32 = arith.constant 0 : i32
    %c0_i32_0 = arith.constant 0 : i32
    return %arg0, %c0_i32 : i32, i32
  }
}

</mosaic_0001>

<sc_bundles>
// kernel: kernel.6.cloned.1.call-start
scs
__scs_entry_jumppad:
0x0: {  	(pc) =	sbr.rel $0x88, $3  }
0x1: {  	(tag) =	ssettag $0x0;
	lr =	simm.s32 $0x1  }
0x2: {  	[smem:$0x3F9D] =	sst lr;
	_ =	strace $0xD0000000  }
0x3: {  	_ = 	snop  }
0x4: {  	_ = 	snop  }
0x5: {  	_ = 	snop  }
0x6: {  	_ = 	snop  }
0x7: {  	_ = 	snop  }
__scs_overlays_trampoline_lowered:
0x8: {  	[smem:$0x3FAC] =	sst s0  }
0x9: {  	[smem:$0x3FAD] =	sst s1  }
0xa: {  	[smem:$0x3FAE] =	sst s2  }
0xb: {  	[smem:$0x3FAF] =	sst s3  }
0xc: {  	[smem:$0x3FB0] =	sst s4  }
0xd: {  	[smem:$0x3FB1] =	sst s5  }
0xe: {  	[smem:$0x3FB2] =	sst s6  }
0xf: {  	[smem:$0x3FB3] =	sst s7  }
0x10: {  	[smem:$0x3FB4] =	sst s8  }
0x11: {  	[smem:$0x3FB5] =	sst s9;
	s0 =	simm.s32 @!p0 $0x0  }
0x12: {  	s1 =	sld [smem:$0x3F9B];
	s0 =	simm.s32 @p0 $0x1  }
0x13: {  	[smem:$0x3FB6] =	sst s0;
	s0 =	simm.s32 @!p1 $0x0  }
0x14: {  	s2 =	sld [smem:$0x3F9A];
	s0 =	simm.s32 @p1 $0x1  }
0x15: {  	[smem:$0x3FB7] =	sst s0;
	s0 =	simm.s32 @!p2 $0x0  }
0x16: {  	s3 =	sld [smem:$0x3FDB];
	s0 =	simm.s32 @p2 $0x1  }
0x17: {  	s4 =	simm.s32 $0x1BF5;
	[smem:$0x3FB9] =	sst s0  }
0x18: {  	s0 =	sld [smem:$0x3F9C];
	_ =	swait.ge [sflag:s4], $0x0  }
0x19: {  	s7 =	sld [smem:$0x3F9D]  }
0x1a: {  	s8 =	sadd.s32 $0xFFFFE003, lr  }
0x1b: {  	s9 =	sadd.s32 $0xFFFFFEF7, lr;
	s5 =	simm.s32 $0xFFFFFFFF;
	p2 =	slt.u32 s8, $0xFFFFF086  }
0x1c: {  	p1 =	slt.u32 s9, $0xF7A;
	s5 =	simm.s32 @!p2 $0x0  }
0x1d: {  	s5 =	simm.s32 @p1 $0x1;
	p0 =	seq.s32 s7, s2  }
0x1e: {  	s7 =	smul.u32 @!p0 $0xF7A, s2;
	p2 =	seq.s32 @!p0 s5, $0x0  }
0x1f: {  	s9 =	smul.u32 $0xF7A, s1;
	s8 =	simm.s32 @!p0 $0x1BF5;
	p2 =	por !p2, p0  }
0x20: {  	[sflag:s8] =	ssyncset.s32 @!p0 $0xFFFFF086;
	s6 =	sadd.s32 @!p0 s3, s7;
	s7 =	simm.s32 @!p0 $0x108  }
0x21: {  	s3 =	sadd.s32 s3, s9;
	s6 =	sadd.s32 @!p0 $0x88, s6;
	s7 =	simm.s32 @p2 $0x1082  }
0x22: {  	[simem:s7], [sflag:s8] =	dma.local @!p0 [hbm:s6], $0xF7A  }
0x23: {  	s9 =	sor.u32 $0xD0000000, s2;
	s6 =	simm.s32 $0x108;
	_ =	swait.ge @!p0 [sflag:s8], $0x0  }
0x24: {  	s3 =	sadd.s32 $0x88, s3;
	s6 =	simm.s32 @!p1 $0x1082;
	[sflag:s4] =	ssyncset.s32 $0xFFFFF086  }
0x25: {  	[simem:s6], [sflag:s4] =	dma.local [hbm:s3], $0xF7A  }
0x26: {  	[smem:$0x3F9D] =	sst s1;
	(tag) =	ssettag s2;
	_ =	strace s9  }
0x27: {  	s1 =	sld [smem:$0x3FAD]  }
0x28: {  	s2 =	sld [smem:$0x3FAE]  }
0x29: {  	s4 =	sld [smem:$0x3FB0]  }
0x2a: {  	p0 =	seq.s32 s5, $0x0;
	s5 =	sld [smem:$0x3FB1]  }
0x2b: {  	s6 =	sld [smem:$0x3FB2]  }
0x2c: {  	s7 =	sld [smem:$0x3FB3]  }
0x2d: {  	s3 =	simm.s32 $0x108;
	s8 =	sld [smem:$0x3FB4]  }
0x2e: {  	s3 =	simm.s32 @!p0 $0x1082;
	s9 =	sld [smem:$0x3FB5]  }
0x2f: {  	lr =	sadd.s32 s0, s3;
	s0 =	sld [smem:$0x3FAC]  }
0x30: {  	s3 =	sld [smem:$0x3FAF]  }
0x31: {  	[smem:$0x3FB8] =	sst s10  }
0x32: {  	s10 =	sld [smem:$0x3FB6];
	_ =	sdelay $0x3  }
0x33: {  	p0 =	seq.s32 s10, $0x1;
	s10 =	sld [smem:$0x3FB8];
	_ =	sdelay $0x3  }
0x34: {  	[smem:$0x3FB8] =	sst s10  }
0x35: {  	s10 =	sld [smem:$0x3FB7];
	_ =	sdelay $0x3  }
0x36: {  	p1 =	seq.s32 s10, $0x1;
	s10 =	sld [smem:$0x3FB8];
	_ =	sdelay $0x3  }
0x37: {  	[smem:$0x3FB8] =	sst s10  }
0x38: {  	s10 =	sld [smem:$0x3FB9]  }
0x39: {  	_ = 	snop;
	(pc) =	sbr.ind lr, $3  }
0x3a: {  	_ = 	snop  }
0x3b: {  	_ = 	snop  }
0x3c: {  	p2 =	seq.s32 s10, $0x1;
	s10 =	sld [smem:$0x3FB8]  }
0x3d: {  	_ =	shalt  }
0x3e: {  	_ =	shalt  }
0x3f: {  	_ =	shalt  }
0x40: {  	_ =	shalt  }
0x41: {  	_ =	shalt  }
0x42: {  	_ =	shalt  }
0x43: {  	_ =	shalt  }
0x44: {  	_ =	shalt  }
0x45: {  	_ =	shalt  }
0x46: {  	_ =	shalt  }
0x47: {  	_ =	shalt  }
0x48: {  	_ =	shalt  }
0x49: {  	_ =	shalt  }
0x4a: {  	_ =	shalt  }
0x4b: {  	_ =	shalt  }
0x4c: {  	_ =	shalt  }
0x4d: {  	_ =	shalt  }
0x4e: {  	_ =	shalt  }
0x4f: {  	_ =	shalt  }
0x50: {  	_ =	shalt  }
0x51: {  	_ =	shalt  }
0x52: {  	_ =	shalt  }
0x53: {  	_ =	shalt  }
0x54: {  	_ =	shalt  }
0x55: {  	_ =	shalt  }
0x56: {  	_ =	shalt  }
0x57: {  	_ =	shalt  }
0x58: {  	_ =	shalt  }
0x59: {  	_ =	shalt  }
0x5a: {  	_ =	shalt  }
0x5b: {  	_ =	shalt  }
0x5c: {  	_ =	shalt  }
0x5d: {  	_ =	shalt  }
0x5e: {  	_ =	shalt  }
0x5f: {  	_ =	shalt  }
0x60: {  	_ =	shalt  }
0x61: {  	_ =	shalt  }
0x62: {  	_ =	shalt  }
0x63: {  	_ =	shalt  }
0x64: {  	_ =	shalt  }
0x65: {  	_ =	shalt  }
0x66: {  	_ =	shalt  }
0x67: {  	_ =	shalt  }
0x68: {  	_ =	shalt  }
0x69: {  	_ =	shalt  }
0x6a: {  	_ =	shalt  }
0x6b: {  	_ =	shalt  }
0x6c: {  	_ =	shalt  }
0x6d: {  	_ =	shalt  }
0x6e: {  	_ =	shalt  }
0x6f: {  	_ =	shalt  }
0x70: {  	_ =	shalt  }
0x71: {  	_ =	shalt  }
0x72: {  	_ =	shalt  }
0x73: {  	_ =	shalt  }
0x74: {  	_ =	shalt  }
0x75: {  	_ =	shalt  }
0x76: {  	_ =	shalt  }
0x77: {  	_ =	shalt  }
0x78: {  	_ =	shalt  }
0x79: {  	_ =	shalt  }
0x7a: {  	_ =	shalt  }
0x7b: {  	_ =	shalt  }
0x7c: {  	_ =	shalt  }
0x7d: {  	_ =	shalt  }
0x7e: {  	_ =	shalt  }
0x7f: {  	_ =	shalt  }
0x80: {  	_ =	shalt  }
0x81: {  	_ =	shalt  }
0x82: {  	_ =	shalt  }
0x83: {  	_ =	shalt  }
0x84: {  	_ =	shalt  }
0x85: {  	_ =	shalt  }
0x86: {  	_ =	shalt  }
0x87: {  	_ =	shalt  }
.Lfunc_end0:
.L_simem_size_0:
called_computation_lowered:
.L_overlay_start_0:
0x88: {  	s2 =	sld [smem:$0x3FD9]  }
0x89: {  	s3 =	sld [smem:$0x3FFE];
	_ =	sdelay $0x1  }
0x8a: {  	s1 =	srdreg.scid  }
0x8b: {  	s0 =	sand.u32 $0x1, s1  }
0x8c: {  	s17 =	sshll.u32 s0, $0xA;
	s2 =	sadd.s32 s3, s2  }
0x8d: {  	s2 =	sadd.s32 s2, s17  }
0x8e: {  	[smem:$0x3FC4] =	sst s2  }
0x8f: {  	_ = 	snop  }
0x90: {  	s2 =	sld [smem:$0x3FD0];
	(tm) =	ssettm $0x1  }
0x91: {  	s18 =	sld [smem:$0x3FFB];
	_ =	sdelay $0x3  }
0x92: {  	_ =	strace s18  }
0x93: {  	s3 =	sld [smem:$0x3FFC];
	_ =	sdelay $0x3  }
0x94: {  	_ =	strace s3  }
0x95: {  	s3 =	sld [smem:$0x3FFD];
	_ =	sdelay $0x3  }
0x96: {  	_ =	strace s3  }
0x97: {  	_ =	strace $0x8FFFFFFF  }
0x98: {  	s19 =	sld [smem:$0x3FDB];
	_ =	sdelay $0x1  }
0x99: {  	s4 =	simm.s32 $_scs_section_size  }
0x9a: {  	s5 =	simm.s32 $_size__tile_overlayer_lowered;
	s6 =	simm.s32 $_tile_overlayer_lowered  }
0x9b: {  	s22 =	simm.s32 $0x1BFF;
	s21 =	sshll.u32 s6, $0x1;
	s3 =	sadd.s32 s4, s19  }
0x9c: {  	s7 =	simm.s32 $0x0;
	s20 =	sshll.u32 s5, $0x1;
	s5 =	sadd.s32 s21, s3  }
0x9d: {  	[timem:s7], [sflag:s22] =	dma.local [hbm:s5], s20  }
0x9e: {  	_ =	swait.ge [sflag:s22], s20  }
0x9f: {  	s4 =	ssub.s32 $0x0, s20;
	[sflag:s22] =	ssyncset.done $0x0  }
0xa0: {  	[sflag:s22] =	ssyncadd.s32 s4;
	_ =	sdelay $0x1  }
0xa1: {  	s23 =	simm.s32 $0x1B8B  }
0xa2: {  	_ =	swait.ge [sflag:s23], $0x1  }
0xa3: {  	[sflag:s23] =	ssyncset.done $0x0  }
0xa4: {  	s25 =	simm.s32 $0x1B8E;
	s24 =	sld [smem:$0x3FFE];
	[sflag:s23] =	ssyncadd.s32 $0xFFFFFFFF  }
0xa5: {  	s26 =	simm.s32 $execute0_lowered;
	[smem:$0x3FD2] =	sst s25  }
0xa6: {  	s5 =	sshll.u32 s26, $0x1;
	_ =	strace $0x80000046;
	[dreg:$0x1] =	wrdreg $0xFFFFFFFF  }
0xa7: {  	s28 =	simm.s32 $_size_execute0_lowered;
	s3 =	sadd.s32 s3, s5;
	[dreg:$0x0] =	wrdreg $0x0  }
0xa8: {  	s5 =	sshll.u32 s28, $0x1;
	[dreg:$0x2] =	wrdreg s3  }
0xa9: {  	[dreg:$0x3] =	wrdreg s5  }
0xaa: {  	[dreg:$0x4] =	wrdreg $0xC0  }
0xab: {  	_ =	task [dreg:s7], $0x5FFFF  }
0xac: {  	[dreg:$0x1] =	wrdreg $0xFFFFFFFF  }
0xad: {  	[dreg:$0x0] =	wrdreg $0x60  }
0xae: {  	[dreg:$0x2] =	wrdreg s2  }
0xaf: {  	[dreg:$0x3] =	wrdreg s24  }
0xb0: {  	[dreg:$0x4] =	wrdreg $0xAB800  }
0xb1: {  	[dreg:$0x5] =	wrdreg $0x9  }
0xb2: {  	_ =	task.clear_ibuf [dreg:s7], $0x6FFFF;
	_ =	strace $0x90000046  }
0xb3: {  	s29 =	simm.s32 $0x9;
	_ =	strace $0x80000048  }
0xb4: {  	_ =	swait.ge [sflag:s29], $0x1  }
0xb5: {  	[sflag:s29] =	ssyncadd.s32 $0xFFFFFFFF  }
0xb6: {  	_ =	strace $0x90000048  }
0xb7: {  	_ =	sfence  }
0xb8: {  	s30 =	sld [smem:$0x0];
	_ =	sdelay $0x2  }
0xb9: {  	s31 =	sshll.u32 s1, $0xD;
	s1 =	sshrl.u32 s1, $0x2  }
0xba: {  	s3 =	sand.u32 $0x4000, s31;
	s1 =	sadd.s32 s1, s30  }
0xbb: {  	s0 =	sor.u32 s3, s0;
	s1 =	sshll.u32 s1, $0x11  }
0xbc: {  	s0 =	sor.u32 s1, s0  }
0xbd: {  	s0 =	sadd.s32 $0x8F2B, s0  }
0xbe: {  	[sflag:s0] =	ssyncadd.remote.s32 $0x1  }
0xbf: {  	_ =	sfence.sel $0xFFFF  }
0xc0: {  	[dreg:$0x0] =	wrdreg $0xFFFFFFFF;
	(pc) =	sbr.abs _section_cstart, $3  }
0xc1: {  	[dreg:$0x1] =	wrdreg $0xFFFFFFFF  }
0xc2: {  	_ =	task.clear_ibuf [dreg:s7], $0x2FFFF;
	_ =	strace $0x9FFFFFFF  }
0xc3: {  	(tm) =	ssettm $0x7FFFFFFF  }
tec
execute0_lowered:
.L_overlay_start_1:
0x0: {  	(tag) =	ssettag $0x1  }
0x1: {  	s4 =	rddreg [dreg:$0x0]  }
0x2: {  	s5 =	rddreg [dreg:$0x1]  }
0x3: {  	s6 =	rddreg [dreg:$0x2];
	s1 =	srdreg.scid  }
0x4: {  	s0 =	rddreg [dreg:$0x3];
	s2 =	simm.s32 $0x0;
	s13 =	simm.s32 $0x2000  }
0x5: {  	s14 =	simm.s32 $0x20000;
	s15 =	simm.s32 $0x6780;
	s16 =	simm.s32 $0xA780  }
0x6: {  	s17 =	simm.s32 $0x0;
	s7 =	sand.u32 $0x1, s1;
	[smem:$0x7FF] =	sst s2  }
0x7: {  	s1 =	stileid.u32;
	s3 =	sadd.s32 $0x1200, s5;
	s8 =	sshll.u32 s7, $0x4  }
0x8: {  	_ =	strace $0x80000047;
	s9 =	sshll.u32 s1, $0x7;
	s10 =	ssub.s32 $0x2, s7  }
0x9: {  	s12 =	sshll.u32 s1, $0xE;
	s7 =	sshll.u32 s7, $0xB;
	s31 =	sshll.u32 s1, $0xD  }
0xa: {  	s8 =	sor.u32 s1, s8;
	s11 =	sadd.s32 s9, s5;
	s28 =	sshrl.u32 s10, $0x1  }
0xb: {  	s29 =	sand.u32 $0x20000, s12;
	s30 =	sand.u32 $0x380, s9;
	s9 =	simm.s32 $0x2780  }
0xc: {  	s12 =	simm.s32 $0x400;
	s8 =	smul.u32 $0x4F0, s8;
	s10 =	ssub.s32 s10, s28  }
0xd: {  	s5 =	sadd.s32 s29, s6;
	s7 =	sadd.s32 s7, s11;
	s6 =	sadd.s32 s31, s6  }
0xe: {  	s11 =	simm.s32 $0x80;
	s5 =	sadd.s32 s30, s5;
	s7 =	sadd.s32 $0x1A00, s7  }
0xf: {  	v0 =	vimm.s32 $0x1;
	s4 =	sadd.s32 s4, s8;
	s8 =	smax.u32 s10, $0x1;
	s10 =	simm.s32 $0x1  }
.LBB2_1:
0x10: {  	[tilespmem:s9], [sflag:$0x1] =	stream.linear.gather [hbm4b:s3+s2], $0x4000, $0x38;
	[tilespmem:$0xEB80] =	vst v63  }
0x11: {  	_ =	swait.ge [sflag:s10], $0x4000  }
0x12: {  	[sflag:s10] =	ssyncset.done $0x0  }
0x13: {  	[sflag:s10] =	ssyncadd.s32 $0xFFFFC000  }
0x14: {  	[tilespmem:s2], [sflag:$0x1] =	stream.linear.gather [hbm4b:s4+s2], $0x2780, $0x38;
	[tilespmem:$0xEB80] =	vst v63  }
0x15: {  	_ =	swait.ge [sflag:s10], $0x2780  }
0x16: {  	[sflag:s10] =	ssyncset.done $0x0  }
0x17: {  	s19 =	simm.s32 $0x0;
	s18 =	simm.s32 $0x40;
	[sflag:s10] =	ssyncadd.s32 $0xFFFFD880  }
.LBB2_2:
0x18: {  	p0 =	sne.s32 s18, $0x9DC0;
	v1 =	vld [tilespmem:s19+$0x0];
	_ =	sdelay $0x3  }
.Ltmp0:
0x19: {  	(pc) =	sbr.rel @p0 .LBB2_2-.Ltmp0, $2  }
0x1a: {  	_ =	sdelay $0x2  }
0x1b: {  	s19 =	sshra.s32 s18, $0x2;
	s18 =	sadd.s32 $0x40, s18;
	[tilespmem:v1+s9+$0x0] =	vst.idx.add.s32.msk $0xffff, v0  }
0x1c: {  	v1 =	vld [tilespmem:s19+$0x0];
	_ =	sdelay $0x7  }
0x1d: {  	[tilespmem:v1+s9+$0x0] =	vst.idx.add.s32.msk $0xffff, v0  }
0x1e: {  	[spmem:s5] =	stream.strided.scatter [tilespmem:s9], [sflag:$0x1], $0x4000, s12, s11, $0x38;
	[tilespmem:$0xEB80] =	vst v63  }
0x1f: {  	_ =	swait.ge [sflag:s10], $0x4000  }
0x20: {  	[sflag:s10] =	ssyncset.done $0x0  }
0x21: {  	[sflag:s10] =	ssyncadd.s32 $0xFFFFC000  }
0x22: {  	s20 =	simm.s32 $0x0;
	[bflag:$0x0] =	sbarrier.arrive $0xFFFF  }
0x23: {  	[tilespmem:s15], [sflag:$0x1] =	stream.strided.gather [spmem:s6], $0x4000, s14, s13, $0x38;
	[tilespmem:$0xEB80] =	vst v63  }
0x24: {  	s23 =	simm.s32 $0x40;
	s22 =	simm.s32 $0x0;
	_ =	swait.ge [sflag:s10], $0x4000  }
0x25: {  	s18 =	sand.u32 $0x70, s20;
	s31 =	sand.u32 $0x1C00, s20;
	[sflag:s10] =	ssyncset.done $0x0  }
0x26: {  	s19 =	simm.s32 $0x0;
	s21 =	sor.u32 s18, s31;
	[sflag:s10] =	ssyncadd.s32 $0xFFFFC000  }
.LBB2_4:
0x27: {  	p0 =	sne.s32 s23, $0xFC0;
	v1 =	vld [tilespmem:s21+$0x6800]  }
0x28: {  	v2 =	vld [tilespmem:s21+$0x6780]  }
0x29: {  	v3 =	vld [tilespmem:s21+$0x6880]  }
0x2a: {  	v4 =	vld [tilespmem:s21+$0x6900]  }
0x2b: {  	v5 =	vld [tilespmem:s21+$0x6980]  }
0x2c: {  	s24 =	sor.u32 s22, s20;
	v6 =	vld [tilespmem:s21+$0x6A00]  }
0x2d: {  	s24 =	sor.u32 $0x380, s24;
	v1 =	vadd.s32 v2, v1;
	v2 =	vld [tilespmem:s21+$0x6A80]  }
0x2e: {  	v1 =	vadd.s32 v3, v1;
	v3 =	vld [tilespmem:s24+$0x6780]  }
0x2f: {  	v1 =	vadd.s32 v4, v1;
	v4 =	vld [tilespmem:s21+$0x8780]  }
0x30: {  	v1 =	vadd.s32 v5, v1;
	v5 =	vld [tilespmem:s21+$0x8800]  }
0x31: {  	v1 =	vadd.s32 v6, v1;
	v6 =	vld [tilespmem:s21+$0x8880]  }
0x32: {  	v1 =	vadd.s32 v2, v1;
	v2 =	vld [tilespmem:s21+$0x8900]  }
0x33: {  	v1 =	vadd.s32 v3, v1;
	v3 =	vld [tilespmem:s21+$0x8980]  }
0x34: {  	v1 =	vadd.s32 v4, v1;
	v4 =	vld [tilespmem:s21+$0x8A00]  }
0x35: {  	v1 =	vadd.s32 v5, v1;
	v5 =	vld [tilespmem:s21+$0x8A80]  }
0x36: {  	v1 =	vadd.s32 v6, v1;
	v6 =	vld [tilespmem:s21+$0x8B00]  }
0x37: {  	v1 =	vadd.s32 v2, v1  }
.Ltmp1:
0x38: {  	v1 =	vadd.s32 v3, v1;
	(pc) =	sbr.rel @p0 .LBB2_4-.Ltmp1, $4  }
0x39: {  	s21 =	sand.u32 $0xE00, s19;
	s19 =	smov.u32 s23;
	v1 =	vadd.s32 v4, v1  }
0x3a: {  	s22 =	sadd.s32 $0x80, s22;
	s20 =	sadd.s32 $0x10, s20;
	s21 =	sshrl.u32 s21, $0x2;
	v1 =	vadd.s32 v5, v1  }
0x3b: {  	s24 =	sand.u32 $0x1C00, s22;
	s25 =	sor.u32 s18, s21;
	s18 =	sand.u32 $0x70, s20;
	v1 =	vadd.s32 v6, v1  }
0x3c: {  	s23 =	sadd.s32 $0x40, s23;
	s21 =	sor.u32 s18, s24;
	[tilespmem:s25+$0xA780] =	vst v1  }
0x3d: {  	v1 =	vld [tilespmem:s21+$0x6800]  }
0x3e: {  	v2 =	vld [tilespmem:s21+$0x6780]  }
0x3f: {  	v3 =	vld [tilespmem:s21+$0x6880]  }
0x40: {  	v4 =	vld [tilespmem:s21+$0x6900]  }
0x41: {  	v5 =	vld [tilespmem:s21+$0x6980]  }
0x42: {  	v6 =	vld [tilespmem:s21+$0x6A00];
	s20 =	sor.u32 s22, s20  }
0x43: {  	s20 =	sor.u32 $0x380, s20;
	v1 =	vadd.s32 v2, v1;
	v2 =	vld [tilespmem:s21+$0x6A80]  }
0x44: {  	v1 =	vadd.s32 v3, v1;
	v3 =	vld [tilespmem:s20+$0x6780]  }
0x45: {  	v58 =	vld [tilespmem:s21+$0x8780];
	v1 =	vadd.s32 v4, v1  }
0x46: {  	v59 =	vld [tilespmem:s21+$0x8800];
	v1 =	vadd.s32 v5, v1  }
0x47: {  	v60 =	vld [tilespmem:s21+$0x8880];
	v1 =	vadd.s32 v6, v1  }
0x48: {  	v1 =	vadd.s32 v2, v1;
	v2 =	vld [tilespmem:s21+$0x8900]  }
0x49: {  	v1 =	vadd.s32 v3, v1;
	v3 =	vld [tilespmem:s21+$0x8980]  }
0x4a: {  	v61 =	vld [tilespmem:s21+$0x8A00];
	v1 =	vadd.s32 v58, v1  }
0x4b: {  	v62 =	vld [tilespmem:s21+$0x8A80];
	v1 =	vadd.s32 v59, v1  }
0x4c: {  	v63 =	vld [tilespmem:s21+$0x8B00];
	v1 =	vadd.s32 v60, v1  }
0x4d: {  	v1 =	vadd.s32 v2, v1  }
0x4e: {  	v1 =	vadd.s32 v3, v1  }
0x4f: {  	s19 =	sand.u32 $0xE00, s19;
	v1 =	vadd.s32 v61, v1  }
0x50: {  	s17 =	sadd.s32 $0x1, s17;
	s19 =	sshrl.u32 s19, $0x2;
	v1 =	vadd.s32 v62, v1  }
0x51: {  	p0 =	sne.s32 s17, s8;
	s18 =	sor.u32 s18, s19;
	v1 =	vadd.s32 v63, v1  }
.Ltmp2:
0x52: {  	[tilespmem:s18+$0xA780] =	vst v1;
	(pc) =	sbr.rel @p0 .LBB2_1-.Ltmp2, $4  }
0x53: {  	[hbm4b:s7+s2] =	stream.linear.scatter [tilespmem:s16], [sflag:$0x1], $0x400, $0x38;
	[tilespmem:$0xEB80] =	vst v63  }
0x54: {  	_ =	swait.ge [sflag:s10], $0x400  }
0x55: {  	[sflag:s10] =	ssyncset.done $0x0  }
0x56: {  	[sflag:s10] =	ssyncadd.s32 $0xFFFFFC00  }
0x57: {  	_ =	sfence.sel $0x180000  }
0x58: {  	[bflag:$0x0] =	sbarrier.arrive $0xFFFF  }
0x59: {  	p0 =	sne.s32 s1, $0x0;
	_ =	strace $0x90000047  }
0x5a: {  	s0 =	sadd.s32 @!p0 $0x100000, s0;
	[bflag:$0x2] =	sbarrier.arrive $0xFFFF  }
0x5b: {  	[sflag:s0] =	ssyncadd.tile.s32 @!p0 $0x1;
	_ =	shalt  }
.Lfunc_end2:
_tile_overlayer_lowered:
.L_overlay_start_2:
0x5c: {  	(tag) =	ssettag $0x2  }
0x5d: {  	s0 =	rddreg [dreg:$0x0];
	s2 =	stileid.u32  }
0x5e: {  	s1 =	rddreg [dreg:$0x1];
	p0 =	sne.s32 s2, $0x0  }
0x5f: {  	s3 =	rddreg [dreg:$0x2];
	[bflag:$0x3] =	sbarrier.arrive $0xFFFF;
	s2 =	simm.s32 @!p0 $0x1C01  }
0x60: {  	[timem:s3], [sflag:s2] =	dma.local @!p0 [hbm:s0], s1  }
0x61: {  	s0 =	simm.s32 @!p0 $0x1  }
0x62: {  	_ =	swait.ge @!p0 [sflag:s0], s1  }
0x63: {  	s1 =	ssub.s32 @!p0 $0x0, s1;
	[sflag:s0] =	ssyncset.done @!p0 $0x0  }
0x64: {  	[sflag:s0] =	ssyncadd.s32 @!p0 s1  }
0x65: {  	[bflag:$0x3] =	sbarrier.arrive $0xFFFF  }
0x66: {  	_ =	shalt  }

// kernel: kernel.9.cloned.1.call-start
scs
__scs_entry_jumppad:
0x0: {  	(pc) =	sbr.rel $0x88, $3  }
0x1: {  	(tag) =	ssettag $0x0;
	lr =	simm.s32 $0x1  }
0x2: {  	[smem:$0x3F9D] =	sst lr;
	_ =	strace $0xD0000000  }
0x3: {  	_ = 	snop  }
0x4: {  	_ = 	snop  }
0x5: {  	_ = 	snop  }
0x6: {  	_ = 	snop  }
0x7: {  	_ = 	snop  }
__scs_overlays_trampoline_lowered:
0x8: {  	[smem:$0x3FAC] =	sst s0  }
0x9: {  	[smem:$0x3FAD] =	sst s1  }
0xa: {  	[smem:$0x3FAE] =	sst s2  }
0xb: {  	[smem:$0x3FAF] =	sst s3  }
0xc: {  	[smem:$0x3FB0] =	sst s4  }
0xd: {  	[smem:$0x3FB1] =	sst s5  }
0xe: {  	[smem:$0x3FB2] =	sst s6  }
0xf: {  	[smem:$0x3FB3] =	sst s7  }
0x10: {  	[smem:$0x3FB4] =	sst s8  }
0x11: {  	[smem:$0x3FB5] =	sst s9;
	s0 =	simm.s32 @!p0 $0x0  }
0x12: {  	s1 =	sld [smem:$0x3F9B];
	s0 =	simm.s32 @p0 $0x1  }
0x13: {  	[smem:$0x3FB6] =	sst s0;
	s0 =	simm.s32 @!p1 $0x0  }
0x14: {  	s2 =	sld [smem:$0x3F9A];
	s0 =	simm.s32 @p1 $0x1  }
0x15: {  	[smem:$0x3FB7] =	sst s0;
	s0 =	simm.s32 @!p2 $0x0  }
0x16: {  	s3 =	sld [smem:$0x3FDB];
	s0 =	simm.s32 @p2 $0x1  }
0x17: {  	s4 =	simm.s32 $0x1BF5;
	[smem:$0x3FB9] =	sst s0  }
0x18: {  	s0 =	sld [smem:$0x3F9C];
	_ =	swait.ge [sflag:s4], $0x0  }
0x19: {  	s7 =	sld [smem:$0x3F9D]  }
0x1a: {  	s8 =	sadd.s32 $0xFFFFE003, lr  }
0x1b: {  	s9 =	sadd.s32 $0xFFFFFEF7, lr;
	s5 =	simm.s32 $0xFFFFFFFF;
	p2 =	slt.u32 s8, $0xFFFFF086  }
0x1c: {  	p1 =	slt.u32 s9, $0xF7A;
	s5 =	simm.s32 @!p2 $0x0  }
0x1d: {  	s5 =	simm.s32 @p1 $0x1;
	p0 =	seq.s32 s7, s2  }
0x1e: {  	s7 =	smul.u32 @!p0 $0xF7A, s2;
	p2 =	seq.s32 @!p0 s5, $0x0  }
0x1f: {  	s9 =	smul.u32 $0xF7A, s1;
	s8 =	simm.s32 @!p0 $0x1BF5;
	p2 =	por !p2, p0  }
0x20: {  	[sflag:s8] =	ssyncset.s32 @!p0 $0xFFFFF086;
	s6 =	sadd.s32 @!p0 s3, s7;
	s7 =	simm.s32 @!p0 $0x108  }
0x21: {  	s3 =	sadd.s32 s3, s9;
	s6 =	sadd.s32 @!p0 $0x88, s6;
	s7 =	simm.s32 @p2 $0x1082  }
0x22: {  	[simem:s7], [sflag:s8] =	dma.local @!p0 [hbm:s6], $0xF7A  }
0x23: {  	s9 =	sor.u32 $0xD0000000, s2;
	s6 =	simm.s32 $0x108;
	_ =	swait.ge @!p0 [sflag:s8], $0x0  }
0x24: {  	s3 =	sadd.s32 $0x88, s3;
	s6 =	simm.s32 @!p1 $0x1082;
	[sflag:s4] =	ssyncset.s32 $0xFFFFF086  }
0x25: {  	[simem:s6], [sflag:s4] =	dma.local [hbm:s3], $0xF7A  }
0x26: {  	[smem:$0x3F9D] =	sst s1;
	(tag) =	ssettag s2;
	_ =	strace s9  }
0x27: {  	s1 =	sld [smem:$0x3FAD]  }
0x28: {  	s2 =	sld [smem:$0x3FAE]  }
0x29: {  	s4 =	sld [smem:$0x3FB0]  }
0x2a: {  	p0 =	seq.s32 s5, $0x0;
	s5 =	sld [smem:$0x3FB1]  }
0x2b: {  	s6 =	sld [smem:$0x3FB2]  }
0x2c: {  	s7 =	sld [smem:$0x3FB3]  }
0x2d: {  	s3 =	simm.s32 $0x108;
	s8 =	sld [smem:$0x3FB4]  }
0x2e: {  	s3 =	simm.s32 @!p0 $0x1082;
	s9 =	sld [smem:$0x3FB5]  }
0x2f: {  	lr =	sadd.s32 s0, s3;
	s0 =	sld [smem:$0x3FAC]  }
0x30: {  	s3 =	sld [smem:$0x3FAF]  }
0x31: {  	[smem:$0x3FB8] =	sst s10  }
0x32: {  	s10 =	sld [smem:$0x3FB6];
	_ =	sdelay $0x3  }
0x33: {  	p0 =	seq.s32 s10, $0x1;
	s10 =	sld [smem:$0x3FB8];
	_ =	sdelay $0x3  }
0x34: {  	[smem:$0x3FB8] =	sst s10  }
0x35: {  	s10 =	sld [smem:$0x3FB7];
	_ =	sdelay $0x3  }
0x36: {  	p1 =	seq.s32 s10, $0x1;
	s10 =	sld [smem:$0x3FB8];
	_ =	sdelay $0x3  }
0x37: {  	[smem:$0x3FB8] =	sst s10  }
0x38: {  	s10 =	sld [smem:$0x3FB9]  }
0x39: {  	_ = 	snop;
	(pc) =	sbr.ind lr, $3  }
0x3a: {  	_ = 	snop  }
0x3b: {  	_ = 	snop  }
0x3c: {  	p2 =	seq.s32 s10, $0x1;
	s10 =	sld [smem:$0x3FB8]  }
0x3d: {  	_ =	shalt  }
0x3e: {  	_ =	shalt  }
0x3f: {  	_ =	shalt  }
0x40: {  	_ =	shalt  }
0x41: {  	_ =	shalt  }
0x42: {  	_ =	shalt  }
0x43: {  	_ =	shalt  }
0x44: {  	_ =	shalt  }
0x45: {  	_ =	shalt  }
0x46: {  	_ =	shalt  }
0x47: {  	_ =	shalt  }
0x48: {  	_ =	shalt  }
0x49: {  	_ =	shalt  }
0x4a: {  	_ =	shalt  }
0x4b: {  	_ =	shalt  }
0x4c: {  	_ =	shalt  }
0x4d: {  	_ =	shalt  }
0x4e: {  	_ =	shalt  }
0x4f: {  	_ =	shalt  }
0x50: {  	_ =	shalt  }
0x51: {  	_ =	shalt  }
0x52: {  	_ =	shalt  }
0x53: {  	_ =	shalt  }
0x54: {  	_ =	shalt  }
0x55: {  	_ =	shalt  }
0x56: {  	_ =	shalt  }
0x57: {  	_ =	shalt  }
0x58: {  	_ =	shalt  }
0x59: {  	_ =	shalt  }
0x5a: {  	_ =	shalt  }
0x5b: {  	_ =	shalt  }
0x5c: {  	_ =	shalt  }
0x5d: {  	_ =	shalt  }
0x5e: {  	_ =	shalt  }
0x5f: {  	_ =	shalt  }
0x60: {  	_ =	shalt  }
0x61: {  	_ =	shalt  }
0x62: {  	_ =	shalt  }
0x63: {  	_ =	shalt  }
0x64: {  	_ =	shalt  }
0x65: {  	_ =	shalt  }
0x66: {  	_ =	shalt  }
0x67: {  	_ =	shalt  }
0x68: {  	_ =	shalt  }
0x69: {  	_ =	shalt  }
0x6a: {  	_ =	shalt  }
0x6b: {  	_ =	shalt  }
0x6c: {  	_ =	shalt  }
0x6d: {  	_ =	shalt  }
0x6e: {  	_ =	shalt  }
0x6f: {  	_ =	shalt  }
0x70: {  	_ =	shalt  }
0x71: {  	_ =	shalt  }
0x72: {  	_ =	shalt  }
0x73: {  	_ =	shalt  }
0x74: {  	_ =	shalt  }
0x75: {  	_ =	shalt  }
0x76: {  	_ =	shalt  }
0x77: {  	_ =	shalt  }
0x78: {  	_ =	shalt  }
0x79: {  	_ =	shalt  }
0x7a: {  	_ =	shalt  }
0x7b: {  	_ =	shalt  }
0x7c: {  	_ =	shalt  }
0x7d: {  	_ =	shalt  }
0x7e: {  	_ =	shalt  }
0x7f: {  	_ =	shalt  }
0x80: {  	_ =	shalt  }
0x81: {  	_ =	shalt  }
0x82: {  	_ =	shalt  }
0x83: {  	_ =	shalt  }
0x84: {  	_ =	shalt  }
0x85: {  	_ =	shalt  }
0x86: {  	_ =	shalt  }
0x87: {  	_ =	shalt  }
.Lfunc_end0:
.L_simem_size_0:
called_computation.1_lowered:
.L_overlay_start_0:
0x88: {  	s2 =	sld [smem:$0x3FD9]  }
0x89: {  	s3 =	sld [smem:$0x3FFE];
	_ =	sdelay $0x1  }
0x8a: {  	s1 =	srdreg.scid  }
0x8b: {  	s0 =	sand.u32 $0x1, s1  }
0x8c: {  	s17 =	sshll.u32 s0, $0xA;
	s2 =	sadd.s32 s3, s2  }
0x8d: {  	s2 =	sadd.s32 s2, s17  }
0x8e: {  	[smem:$0x3FC4] =	sst s2  }
0x8f: {  	_ = 	snop  }
0x90: {  	s2 =	sld [smem:$0x3FD0];
	(tm) =	ssettm $0x1  }
0x91: {  	s18 =	sld [smem:$0x3FFB];
	_ =	sdelay $0x3  }
0x92: {  	_ =	strace s18  }
0x93: {  	s3 =	sld [smem:$0x3FFC];
	_ =	sdelay $0x3  }
0x94: {  	_ =	strace s3  }
0x95: {  	s3 =	sld [smem:$0x3FFD];
	_ =	sdelay $0x3  }
0x96: {  	_ =	strace s3  }
0x97: {  	_ =	strace $0x8FFFFFFF  }
0x98: {  	s19 =	sld [smem:$0x3FDB];
	_ =	sdelay $0x1  }
0x99: {  	s4 =	simm.s32 $_scs_section_size  }
0x9a: {  	s5 =	simm.s32 $_size__tile_overlayer_lowered;
	s6 =	simm.s32 $_tile_overlayer_lowered  }
0x9b: {  	s22 =	simm.s32 $0x1BFF;
	s21 =	sshll.u32 s6, $0x1;
	s3 =	sadd.s32 s4, s19  }
0x9c: {  	s7 =	simm.s32 $0x0;
	s20 =	sshll.u32 s5, $0x1;
	s5 =	sadd.s32 s21, s3  }
0x9d: {  	[timem:s7], [sflag:s22] =	dma.local [hbm:s5], s20  }
0x9e: {  	_ =	swait.ge [sflag:s22], s20  }
0x9f: {  	s4 =	ssub.s32 $0x0, s20;
	[sflag:s22] =	ssyncset.done $0x0  }
0xa0: {  	[sflag:s22] =	ssyncadd.s32 s4;
	_ =	sdelay $0x1  }
0xa1: {  	s23 =	simm.s32 $0x1B8B  }
0xa2: {  	_ =	swait.ge [sflag:s23], $0x1  }
0xa3: {  	[sflag:s23] =	ssyncset.done $0x0  }
0xa4: {  	s25 =	simm.s32 $0x1B8E;
	s24 =	sld [smem:$0x3FFE];
	[sflag:s23] =	ssyncadd.s32 $0xFFFFFFFF  }
0xa5: {  	s26 =	simm.s32 $execute0_lowered;
	[smem:$0x3FD2] =	sst s25  }
0xa6: {  	s5 =	sshll.u32 s26, $0x1;
	_ =	strace $0x80000049;
	[dreg:$0x1] =	wrdreg $0xFFFFFFFF  }
0xa7: {  	s28 =	simm.s32 $_size_execute0_lowered;
	s3 =	sadd.s32 s3, s5;
	[dreg:$0x0] =	wrdreg $0x0  }
0xa8: {  	s5 =	sshll.u32 s28, $0x1;
	[dreg:$0x2] =	wrdreg s3  }
0xa9: {  	[dreg:$0x3] =	wrdreg s5  }
0xaa: {  	[dreg:$0x4] =	wrdreg $0xC0  }
0xab: {  	_ =	task [dreg:s7], $0x5FFFF  }
0xac: {  	[dreg:$0x1] =	wrdreg $0xFFFFFFFF  }
0xad: {  	[dreg:$0x0] =	wrdreg $0x60  }
0xae: {  	[dreg:$0x2] =	wrdreg s24  }
0xaf: {  	[dreg:$0x3] =	wrdreg s2  }
0xb0: {  	[dreg:$0x4] =	wrdreg $0x41000  }
0xb1: {  	[dreg:$0x5] =	wrdreg $0x9  }
0xb2: {  	_ =	task.clear_ibuf [dreg:s7], $0x6FFFF;
	_ =	strace $0x90000049  }
0xb3: {  	s29 =	simm.s32 $0x9;
	_ =	strace $0x8000004B  }
0xb4: {  	_ =	swait.ge [sflag:s29], $0x1  }
0xb5: {  	[sflag:s29] =	ssyncadd.s32 $0xFFFFFFFF  }
0xb6: {  	_ =	strace $0x9000004B  }
0xb7: {  	_ =	sfence  }
0xb8: {  	s30 =	sld [smem:$0x0];
	_ =	sdelay $0x2  }
0xb9: {  	s31 =	sshll.u32 s1, $0xD;
	s1 =	sshrl.u32 s1, $0x2  }
0xba: {  	s3 =	sand.u32 $0x4000, s31;
	s1 =	sadd.s32 s1, s30  }
0xbb: {  	s0 =	sor.u32 s3, s0;
	s1 =	sshll.u32 s1, $0x11  }
0xbc: {  	s0 =	sor.u32 s1, s0  }
0xbd: {  	s0 =	sadd.s32 $0x8F2B, s0  }
0xbe: {  	[sflag:s0] =	ssyncadd.remote.s32 $0x1  }
0xbf: {  	_ =	sfence.sel $0xFFFF  }
0xc0: {  	[dreg:$0x0] =	wrdreg $0xFFFFFFFF;
	(pc) =	sbr.abs _section_cstart, $3  }
0xc1: {  	[dreg:$0x1] =	wrdreg $0xFFFFFFFF  }
0xc2: {  	_ =	task.clear_ibuf [dreg:s7], $0x2FFFF;
	_ =	strace $0x9FFFFFFF  }
0xc3: {  	(tm) =	ssettm $0x7FFFFFFF  }
tec
execute0_lowered:
.L_overlay_start_1:
0x0: {  	(tag) =	ssettag $0x1  }
0x1: {  	s5 =	rddreg [dreg:$0x0]  }
0x2: {  	s8 =	rddreg [dreg:$0x1]  }
0x3: {  	s0 =	srdreg.scid;
	s1 =	stileid.u32  }
0x4: {  	s2 =	rddreg [dreg:$0x2];
	s7 =	smul.u32 $0x13C00, s1  }
0x5: {  	s3 =	simm.s32 $0x0;
	s15 =	simm.s32 $0x1;
	s13 =	smul.u32 $0x4F000, s1  }
0x6: {  	s6 =	sand.u32 $0x1, s0;
	s0 =	rddreg [dreg:$0x3];
	s31 =	smul.u32 $0x4F0, s1  }
0x7: {  	s16 =	simm.s32 $0x0;
	[smem:$0x7FF] =	sst s3;
	s9 =	smul.u32 $0x4F00, s6  }
0x8: {  	s4 =	sadd.s32 $0xC800, s5;
	s30 =	sshll.u32 s1, $0x6;
	s10 =	smul.u32 $0x13C000, s6  }
0x9: {  	_ =	strace $0x8000004A;
	s6 =	ssub.s32 $0x2, s6;
	s12 =	sshrl.u32 s7, $0x3  }
0xa: {  	s28 =	sshrl.u32 s6, $0x1;
	s29 =	sshrl.u32 s13, $0x2;
	s13 =	simm.s32 $0x80  }
0xb: {  	s11 =	sadd.s32 s9, s5;
	s7 =	sadd.s32 s7, s10;
	s12 =	sadd.s32 s12, s5  }
0xc: {  	s10 =	ssub.s32 s6, s28;
	s14 =	sadd.s32 s29, s2;
	s6 =	sor.u32 $0x1C02, s30  }
0xd: {  	s9 =	sadd.s32 s9, s8;
	s7 =	sshrl.u32 s7, $0x3;
	s11 =	sadd.s32 s31, s11  }
0xe: {  	s8 =	smax.u32 s10, $0x1;
	s9 =	sadd.s32 s31, s9;
	s7 =	sadd.s32 s7, s5  }
0xf: {  	s5 =	sadd.s32 $0x33A00, s12;
	s10 =	sadd.s32 $0x2A00, s11;
	s11 =	sshrl.u32 s14, $0x3  }
0x10: {  	s12 =	simm.s32 $0x2;
	s14 =	simm.s32 $0x100;
	s7 =	sadd.s32 $0x5B200, s7  }
.LBB2_1:
0x11: {  	[spmem:s11], [sflag:s6] =	dma.local [hbm:s5], $0x2780  }
0x12: {  	_ =	swait.ge [sflag:s12], $0x2780  }
0x13: {  	[sflag:s12] =	ssyncset.done $0x0  }
0x14: {  	[sflag:s12] =	ssyncadd.s32 $0xFFFFD880  }
0x15: {  	s17 =	sadd.s32 $0x0, s10;
	[bflag:$0x0] =	sbarrier.arrive $0xFFFF  }
0x16: {  	[tilespmem:s3], [sflag:$0x2] =	stream.linear.gather [hbm4b:s17+s3], $0x80, $0x38;
	[tilespmem:$0x17D00] =	vst v63  }
0x17: {  	_ =	swait.ge [sflag:s12], $0x80  }
0x18: {  	[sflag:s12] =	ssyncset.done $0x0  }
0x19: {  	s31 =	sadd.s32 $0x0, s9;
	[sflag:s12] =	ssyncadd.s32 $0xFFFFFF80  }
0x1a: {  	[tilespmem:s13], [sflag:$0x2] =	stream.linear.gather [hbm4b:s31+s3], $0x80, $0x38;
	[tilespmem:$0x17D00] =	vst v63  }
0x1b: {  	_ =	swait.ge [sflag:s12], $0x80  }
0x1c: {  	[sflag:s12] =	ssyncset.done $0x0  }
0x1d: {  	[sflag:s12] =	ssyncadd.s32 $0xFFFFFF80  }
0x1e: {  	[tilespmem:s14], [sflag:$0x1] =	stream.indirect.gather [hbm4b:s4+s13], $0x80, s3, s13, $0xb8;
	[tilespmem:$0x17D00] =	vst v63  }
0x1f: {  	_ =	swait.ge [sflag:s15], $0x4000  }
0x20: {  	[sflag:s15] =	ssyncset.done $0x0  }
0x21: {  	[sflag:s15] =	ssyncadd.s32 $0xFFFFC000  }
0x22: {  	[spmem:s2] =	stream.indirect.scatter.add.f32 [tilespmem:s14], [sflag:$0x2], $0x80, s13, s13, $0xb8;
	[tilespmem:$0x17D00] =	vst v63  }
0x23: {  	_ =	swait.ge [sflag:s12], $0x4000  }
0x24: {  	s18 =	simm.s32 $0x20;
	s17 =	simm.s32 $0x10;
	[sflag:s12] =	ssyncset.done $0x0  }
.LBB2_2:
0x25: {  	s19 =	sadd.s32 s17, s10  }
0x26: {  	[sflag:s12] =	ssyncadd.s32 $0xFFFFC000;
	s20 =	smov.u32 s18;
	s21 =	sadd.s32 $0x10, s18  }
0x27: {  	[tilespmem:s3], [sflag:$0x2] =	stream.linear.gather [hbm4b:s19+s3], $0x80, $0x38;
	[tilespmem:$0x17D00] =	vst v63  }
0x28: {  	p0 =	sne.s32 s18, $0x4E0;
	_ =	swait.ge [sflag:s12], $0x80  }
0x29: {  	[sflag:s12] =	ssyncset.done $0x0  }
0x2a: {  	s18 =	sadd.s32 s17, s9;
	s17 =	smov.u32 s20;
	[sflag:s12] =	ssyncadd.s32 $0xFFFFFF80  }
0x2b: {  	[tilespmem:s13], [sflag:$0x2] =	stream.linear.gather [hbm4b:s18+s3], $0x80, $0x38;
	[tilespmem:$0x17D00] =	vst v63  }
0x2c: {  	_ =	swait.ge [sflag:s12], $0x80  }
0x2d: {  	[sflag:s12] =	ssyncset.done $0x0  }
0x2e: {  	[sflag:s12] =	ssyncadd.s32 $0xFFFFFF80  }
0x2f: {  	[tilespmem:s14], [sflag:$0x1] =	stream.indirect.gather [hbm4b:s4+s13], $0x80, s3, s13, $0xb8;
	[tilespmem:$0x17D00] =	vst v63  }
0x30: {  	_ =	swait.ge [sflag:s15], $0x4000  }
.Ltmp0:
0x31: {  	[sflag:s15] =	ssyncset.done $0x0;
	(pc) =	sbr.rel @p0 .LBB2_2-.Ltmp0, $4  }
0x32: {  	[sflag:s15] =	ssyncadd.s32 $0xFFFFC000  }
0x33: {  	[spmem:s2] =	stream.indirect.scatter.add.f32 [tilespmem:s14], [sflag:$0x2], $0x80, s13, s13, $0xb8;
	[tilespmem:$0x17D00] =	vst v63  }
0x34: {  	_ =	swait.ge [sflag:s12], $0x4000  }
0x35: {  	s18 =	smov.u32 s21;
	[sflag:s12] =	ssyncset.done $0x0  }
0x36: {  	s18 =	sadd.s32 s17, s10;
	[sflag:s12] =	ssyncadd.s32 $0xFFFFC000  }
0x37: {  	[tilespmem:s3], [sflag:$0x2] =	stream.linear.gather [hbm4b:s18+s3], $0x80, $0x38;
	[tilespmem:$0x17D00] =	vst v63  }
0x38: {  	_ =	swait.ge [sflag:s12], $0x80  }
0x39: {  	[sflag:s12] =	ssyncset.done $0x0  }
0x3a: {  	s31 =	sadd.s32 s17, s9;
	[sflag:s12] =	ssyncadd.s32 $0xFFFFFF80  }
0x3b: {  	[tilespmem:s13], [sflag:$0x2] =	stream.linear.gather [hbm4b:s31+s3], $0x80, $0x38;
	[tilespmem:$0x17D00] =	vst v63  }
0x3c: {  	_ =	swait.ge [sflag:s12], $0x80  }
0x3d: {  	[sflag:s12] =	ssyncset.done $0x0  }
0x3e: {  	[sflag:s12] =	ssyncadd.s32 $0xFFFFFF80  }
0x3f: {  	[tilespmem:s14], [sflag:$0x1] =	stream.indirect.gather [hbm4b:s4+s13], $0x80, s3, s13, $0xb8;
	[tilespmem:$0x17D00] =	vst v63  }
0x40: {  	_ =	swait.ge [sflag:s15], $0x4000  }
0x41: {  	[sflag:s15] =	ssyncset.done $0x0  }
0x42: {  	[sflag:s15] =	ssyncadd.s32 $0xFFFFC000  }
0x43: {  	[spmem:s2] =	stream.indirect.scatter.add.f32 [tilespmem:s14], [sflag:$0x2], $0x80, s13, s13, $0xb8;
	[tilespmem:$0x17D00] =	vst v63  }
0x44: {  	_ =	swait.ge [sflag:s12], $0x4000  }
0x45: {  	s16 =	sadd.s32 $0x1, s16;
	[sflag:s12] =	ssyncset.done $0x0  }
0x46: {  	p0 =	sne.s32 s16, s8;
	[sflag:s12] =	ssyncadd.s32 $0xFFFFC000  }
.Ltmp1:
0x47: {  	[bflag:$0x0] =	sbarrier.arrive $0xFFFF;
	(pc) =	sbr.rel @p0 .LBB2_1-.Ltmp1, $4  }
0x48: {  	[hbm:s7], [sflag:s6] =	dma.local [spmem:s11], $0x2780  }
0x49: {  	_ =	swait.ge [sflag:s12], $0x2780  }
0x4a: {  	[sflag:s12] =	ssyncset.done $0x0  }
0x4b: {  	[sflag:s12] =	ssyncadd.s32 $0xFFFFD880  }
0x4c: {  	_ =	sfence.sel $0x180000  }
0x4d: {  	[bflag:$0x0] =	sbarrier.arrive $0xFFFF  }
0x4e: {  	p0 =	sne.s32 s1, $0x0;
	_ =	strace $0x9000004A  }
0x4f: {  	s0 =	sadd.s32 @!p0 $0x100000, s0;
	[bflag:$0x2] =	sbarrier.arrive $0xFFFF  }
0x50: {  	[sflag:s0] =	ssyncadd.tile.s32 @!p0 $0x1;
	_ =	shalt  }
.Lfunc_end2:
_tile_overlayer_lowered:
.L_overlay_start_2:
0x51: {  	(tag) =	ssettag $0x2  }
0x52: {  	s0 =	rddreg [dreg:$0x0];
	s2 =	stileid.u32  }
0x53: {  	s1 =	rddreg [dreg:$0x1];
	p0 =	sne.s32 s2, $0x0  }
0x54: {  	s3 =	rddreg [dreg:$0x2];
	[bflag:$0x3] =	sbarrier.arrive $0xFFFF;
	s2 =	simm.s32 @!p0 $0x1C02  }
0x55: {  	[timem:s3], [sflag:s2] =	dma.local @!p0 [hbm:s0], s1  }
0x56: {  	s0 =	simm.s32 @!p0 $0x2  }
0x57: {  	_ =	swait.ge @!p0 [sflag:s0], s1  }
0x58: {  	s1 =	ssub.s32 @!p0 $0x0, s1;
	[sflag:s0] =	ssyncset.done @!p0 $0x0  }
0x59: {  	[sflag:s0] =	ssyncadd.s32 @!p0 s1  }
0x5a: {  	[bflag:$0x3] =	sbarrier.arrive $0xFFFF  }
0x5b: {  	_ =	shalt  }

</sc_bundles>
